<compile_context>
chip_gen: v7x
topology: tpu7x:2x2x1
jax: 0.10.2.dev20260603
libtpu: 0.0.44.dev20260713+nightly
codegen_flags: <defaults>
</compile_context>

<pallas_src>
import functools

import jax
import jax.numpy as jnp
from jax import lax
from jax.experimental import pallas as pl
from jax.experimental.pallas import tpu as pltpu
from jax.experimental.pallas import tpu_sc as plsc

N = 8192
IN_F = 512
COMP = 128
K = 16
PPAD = 16
RB = 256
PB = 256
NK = N * K



CW = 512


def _encode_knn_body(cs_ref, ce_ref,
                     f_ref, posb_ref, posT_ref, bcol_ref, brow_ref,
                     we_ref, be_ref, wq_ref, bq_ref, wk_ref, bk_ref,
                     wv_ref, bv_ref, wp1_ref,
                     q_ref, kvp_ref, idx_ref):
    h = jnp.dot(f_ref[...], we_ref[...], preferred_element_type=jnp.float32)
    h = h + be_ref[...]
    q_ref[...] = jnp.dot(h, wq_ref[...], preferred_element_type=jnp.float32) + bq_ref[...]
    kvp_ref[:, 0:COMP] = jnp.dot(h, wk_ref[...], preferred_element_type=jnp.float32) + bk_ref[...]
    kvp_ref[:, COMP:2 * COMP] = jnp.dot(h, wv_ref[...], preferred_element_type=jnp.float32) + bv_ref[...]

    posb = posb_ref[...]
    kvp_ref[:, 2 * COMP:3 * COMP] = jnp.dot(posb, wp1_ref[...], preferred_element_type=jnp.float32)
    sqb = jnp.sum(posb * posb, axis=1, keepdims=True)
    bcol = bcol_ref[...]
    i = pl.program_id(0)
    cs = cs_ref[i]
    ce = ce_ref[i]

    init_v = jnp.full((RB, K), jnp.inf, jnp.float32)
    init_i = jnp.broadcast_to(
        (-1.0 - lax.broadcasted_iota(jnp.int32, (1, K), 1).astype(jnp.float32)),
        (RB, K))
    iota_c = lax.broadcasted_iota(jnp.int32, (RB, CW), 1)

    def chunk_body(c, carry):
        vals, idxs = carry
        pcols = posT_ref[:, pl.ds(c * CW, CW)]
        dots = jnp.dot(posb, pcols, preferred_element_type=jnp.float32)
        sqr = jnp.sum(pcols * pcols, axis=0, keepdims=True)
        d2 = sqb + sqr - 2.0 * dots
        same = bcol == brow_ref[:, pl.ds(c * CW, CW)]
        cand = jnp.where(same, d2, jnp.inf)
        cidx = (c * CW + iota_c).astype(jnp.float32)
        wv = jnp.concatenate([vals, cand], axis=1)
        wi = jnp.concatenate([idxs, cidx], axis=1)
        nv, ni = [], []
        for _ in range(K):
            m = jnp.min(wv, axis=1, keepdims=True)
            tie = jnp.where(wv == m, wi, jnp.float32(N))
            amin = jnp.min(tie, axis=1, keepdims=True)
            nv.append(m)
            ni.append(amin)
            wv = jnp.where(tie == amin, jnp.inf, wv)
        return jnp.concatenate(nv, axis=1), jnp.concatenate(ni, axis=1)

    vals, idxs = lax.fori_loop(cs, ce, chunk_body, (init_v, init_i))
    idx_ref[...] = jnp.clip(idxs, 0.0, jnp.float32(N - 1)).astype(jnp.int32)


def _encode_knn(cs, ce, features, pos16, posT, bcol, brow, W_enc, b_enc,
                Wq, bq, Wk, bk, Wv, bv, Wp1p):
    grid = (N // RB,)
    full = lambda shape: pl.BlockSpec(shape, lambda i, s0, s1: (0, 0))
    rowblk = lambda w: pl.BlockSpec((RB, w), lambda i, s0, s1: (i, 0))
    return pl.pallas_call(
        _encode_knn_body,
        grid_spec=pltpu.PrefetchScalarGridSpec(
            num_scalar_prefetch=2,
            grid=grid,
            in_specs=[
                rowblk(IN_F),
                rowblk(PPAD),
                full((PPAD, N)),
                pl.BlockSpec((RB, 1), lambda i, s0, s1: (i, 0)),
                full((1, N)),
                full((IN_F, COMP)), full((1, COMP)),
                full((COMP, COMP)), full((1, COMP)),
                full((COMP, COMP)), full((1, COMP)),
                full((COMP, COMP)), full((1, COMP)),
                full((PPAD, COMP)),
            ],
            out_specs=[
                rowblk(COMP), rowblk(3 * COMP),
                pl.BlockSpec((RB, K), lambda i, s0, s1: (i, 0)),
            ],
        ),
        out_shape=[
            jax.ShapeDtypeStruct((N, COMP), jnp.float32),
            jax.ShapeDtypeStruct((N, 3 * COMP), jnp.float32),
            jax.ShapeDtypeStruct((N, K), jnp.int32),
        ],
    )(cs, ce, features, pos16, posT, bcol, brow, W_enc, b_enc,
      Wq, bq, Wk, bk, Wv, bv, Wp1p)



_NW = 32
_BPW = NK // _NW
_CH = 128
_NCH = _BPW // _CH
_TW = 3 * COMP


def _gather_body(kvp_hbm, idx_hbm, out_hbm,
                 idx_v, bufa, bufb, gsa, gsb, ssa, ssb):
    wid = lax.axis_index("s") * 2 + lax.axis_index("c")
    base = wid * _BPW
    pltpu.sync_copy(idx_hbm.at[pl.ds(base, _BPW)], idx_v)

    def pair(p, carry):
        ca = 2 * p
        cb = 2 * p + 1
        ga = pltpu.async_copy(
            kvp_hbm.at[idx_v.at[pl.ds(ca * _CH, _CH)]], bufa, gsa)
        gb = pltpu.async_copy(
            kvp_hbm.at[idx_v.at[pl.ds(cb * _CH, _CH)]], bufb, gsb)
        ga.wait()
        sa = pltpu.async_copy(bufa, out_hbm.at[pl.ds(base + ca * _CH, _CH)], ssa)
        gb.wait()
        sb = pltpu.async_copy(bufb, out_hbm.at[pl.ds(base + cb * _CH, _CH)], ssb)
        sa.wait()
        sb.wait()
        return carry

    lax.fori_loop(0, _NCH // 2, pair, 0)


def _gather(kvp, idx_flat):
    mesh = plsc.VectorSubcoreMesh(core_axis_name="c", subcore_axis_name="s")
    f = functools.partial(
        pl.kernel,
        out_type=jax.ShapeDtypeStruct((NK, _TW), jnp.float32),
        mesh=mesh,
        scratch_types=[
            pltpu.VMEM((_BPW,), jnp.int32),
            pltpu.VMEM((_CH, _TW), jnp.float32),
            pltpu.VMEM((_CH, _TW), jnp.float32),
            pltpu.SemaphoreType.DMA,
            pltpu.SemaphoreType.DMA,
            pltpu.SemaphoreType.DMA,
            pltpu.SemaphoreType.DMA,
        ],
    )(_gather_body)
    return f(kvp, idx_flat)




def _attn_body(kj_ref, vj_ref, pja_ref, q_ref, pia_ref, f_ref,
               bp1_ref, wp2_ref, bp2_ref,
               wa1_ref, ba1_ref, wa2_ref, ba2_ref,
               wd_ref, bd_ref, out_ref):
    nkb = PB * K
    piA = pia_ref[...]
    piAb = jnp.broadcast_to(piA[:, None, :], (PB, K, COMP)).reshape(nkb, COMP)
    pe_h = jnp.maximum(piAb - pja_ref[...] + bp1_ref[...], 0.0)
    pe = jnp.dot(pe_h, wp2_ref[...], preferred_element_type=jnp.float32) + bp2_ref[...]

    qb = jnp.broadcast_to(q_ref[...][:, None, :], (PB, K, COMP)).reshape(nkb, COMP)
    a = qb - kj_ref[...] + pe
    a_h = jnp.maximum(jnp.dot(a, wa1_ref[...], preferred_element_type=jnp.float32) + ba1_ref[...], 0.0)
    a = jnp.dot(a_h, wa2_ref[...], preferred_element_type=jnp.float32) + ba2_ref[...]

    a3 = a.reshape(PB, K, COMP)
    mx = jnp.max(a3, axis=1, keepdims=True)
    e = jnp.exp(a3 - mx)
    s = jnp.sum(e, axis=1, keepdims=True)
    w = e / s
    vpe = (vj_ref[...] + pe).reshape(PB, K, COMP)
    agg = jnp.sum(w * vpe, axis=1)

    y = jnp.dot(agg, wd_ref[...], preferred_element_type=jnp.float32) + bd_ref[...]
    out_ref[...] = f_ref[...] + y


def _attention(kvpj, q, kvp, features,
               bp1, Wp2, bp2, Wa1, ba1, Wa2, ba2, W_dec, b_dec):
    grid = (N // PB,)
    full = lambda shape: pl.BlockSpec(shape, lambda i: (0, 0))
    nkcol = lambda c: pl.BlockSpec((PB * K, COMP), lambda i, c=c: (i, c))
    pblk = lambda w: pl.BlockSpec((PB, w), lambda i: (i, 0))
    return pl.pallas_call(
        _attn_body,
        grid=grid,
        in_specs=[
            nkcol(0), nkcol(1), nkcol(2),
            pblk(COMP),
            pl.BlockSpec((PB, COMP), lambda i: (i, 2)),
            pblk(IN_F),
            full((1, COMP)),
            full((COMP, COMP)), full((1, COMP)),
            full((COMP, COMP)), full((1, COMP)),
            full((COMP, COMP)), full((1, COMP)),
            full((COMP, IN_F)), full((1, IN_F)),
        ],
        out_specs=pblk(IN_F),
        out_shape=jax.ShapeDtypeStruct((N, IN_F), jnp.float32),
    )(kvpj, kvpj, kvpj, q, kvp, features,
      bp1, Wp2, bp2, Wa1, ba1, Wa2, ba2, W_dec, b_dec)




def kernel(features, positions, batch, W_enc, b_enc, Wq, bq, Wk, bk, Wv, bv,
           Wp1, bp1, Wp2, bp2, Wa1, ba1, Wa2, ba2, W_dec, b_dec):
    pos16 = jnp.pad(positions, ((0, 0), (0, PPAD - 3)))
    posT = pos16.T
    batchf = batch.astype(jnp.float32)
    bcol = batchf.reshape(N, 1)
    brow = batchf.reshape(1, N)
    row = lambda b: b.reshape(1, -1)

    Wp1p = jnp.pad(Wp1, ((0, PPAD - 3), (0, 0)))
    blk = jnp.arange(N // RB)
    b_lo = batch[blk * RB]
    b_hi = batch[blk * RB + RB - 1]
    col_start = jnp.searchsorted(batch, b_lo, side="left")
    col_end = jnp.searchsorted(batch, b_hi, side="right")
    cs = (col_start // CW).astype(jnp.int32)
    ce = ((col_end + CW - 1) // CW).astype(jnp.int32)
    q, kvp, idx = _encode_knn(
        cs, ce, features, pos16, posT, bcol, brow, W_enc, row(b_enc),
        Wq, row(bq), Wk, row(bk), Wv, row(bv), Wp1p)

    idx_flat = idx.reshape(NK)
    kvpj = _gather(kvp, idx_flat)

    out = _attention(kvpj, q, kvp, features,
                     row(bp1), Wp2, row(bp2),
                     Wa1, row(ba1), Wa2, row(ba2), W_dec, row(b_dec))
    return (out, positions, batch)

# --- scband reference (transcript-rebuilt; emitter-appended) ---
"""Pipeline reference for scband-point-transformer-block-37495064494778 (READ-ONLY COPY).

The authoritative reference and input builder live on the scoring server;
editing this copy changes nothing except your own understanding.
"""

import jax, jax.numpy as jnp
import numpy as np

N = 8192
IN_F = 512
COMP = 128
K = 16
NB = 4


def _knn_idx(positions, batch, k):
    sq = jnp.sum(positions * positions, axis=1)
    d2 = sq[:, None] + sq[None, :] - 2.0 * (positions @ positions.T)
    same = batch[:, None] == batch[None, :]
    d2 = jnp.where(same, d2, jnp.inf)
    _, idx = jax.lax.top_k(-d2, k)
    return idx


def _lin(key, fan_in, fan_out):
    return jax.random.normal(key, (fan_in, fan_out), dtype=jnp.float32) / np.sqrt(fan_in)


def setup_inputs(seed: int = 0):
    key = jax.random.key(seed)
    ks = jax.random.split(key, 16)
    features = jax.random.normal(ks[0], (N, IN_F), dtype=jnp.float32)
    positions = jax.random.normal(ks[1], (N, 3), dtype=jnp.float32) * 2.0
    batch = jnp.sort(jax.random.randint(ks[2], (N,), 0, NB))
    return {
        "features": features,
        "positions": positions,
        "batch": batch,
        "W_enc": _lin(ks[3], IN_F, COMP), "b_enc": jnp.zeros((COMP,), jnp.float32),
        "Wq": _lin(ks[4], COMP, COMP), "bq": jnp.zeros((COMP,), jnp.float32),
        "Wk": _lin(ks[5], COMP, COMP), "bk": jnp.zeros((COMP,), jnp.float32),
        "Wv": _lin(ks[6], COMP, COMP), "bv": jnp.zeros((COMP,), jnp.float32),
        "Wp1": _lin(ks[7], 3, COMP), "bp1": jnp.zeros((COMP,), jnp.float32),
        "Wp2": _lin(ks[8], COMP, COMP), "bp2": jnp.zeros((COMP,), jnp.float32),
        "Wa1": _lin(ks[9], COMP, COMP), "ba1": jnp.zeros((COMP,), jnp.float32),
        "Wa2": _lin(ks[10], COMP, COMP), "ba2": jnp.zeros((COMP,), jnp.float32),
        "W_dec": _lin(ks[11], COMP, IN_F), "b_dec": jnp.zeros((IN_F,), jnp.float32),
    }


def reference(features, positions, batch, W_enc, b_enc, Wq, bq, Wk, bk, Wv, bv, Wp1, bp1, Wp2, bp2, Wa1, ba1, Wa2, ba2, W_dec, b_dec):
    # linear_encoder
    h = features @ W_enc + b_enc
    # PointTransformerLayer (vector attention over kNN, Zhao et al.)
    idx = _knn_idx(positions, batch, K)  # [N, K]
    q = h @ Wq + bq
    kfeat = h @ Wk + bk
    v = h @ Wv + bv
    kj = jnp.take(kfeat, idx, axis=0)      # [N, K, COMP]
    vj = jnp.take(v, idx, axis=0)          # [N, K, COMP]
    pj = jnp.take(positions, idx, axis=0)  # [N, K, 3]
    rel = positions[:, None, :] - pj
    pe = jax.nn.relu(rel @ Wp1 + bp1) @ Wp2 + bp2   # position encoding MLP
    a = q[:, None, :] - kj + pe
    a = jax.nn.relu(a @ Wa1 + ba1) @ Wa2 + ba2       # attention MLP
    a = jax.nn.softmax(a, axis=1)
    agg = jnp.sum(a * (vj + pe), axis=1)             # [N, COMP]
    # linear_decoder + residual
    y = agg @ W_dec + b_dec
    return (features + y, positions, batch)

if __name__ == "__main__":
    import jax
    _d = setup_inputs()
    print(jax.jit(kernel)(*tuple(_d.values())))

</pallas_src>

<mosaic_0001>
#map = affine_map<(d0, d1) -> (0, 0)>
#map1 = affine_map<(d0, d1) -> (0)>
module attributes {stable_mosaic.version = 14 : i64} {
  func.func @_gather_body(%arg0: i32, %arg1: i32, %arg2: memref<8192x384xf32, #tpu.memory_space<hbm>>, %arg3: memref<131072xi32, #tpu.memory_space<hbm>>, %arg4: memref<131072x384xf32, #tpu.memory_space<hbm>>, %arg5: memref<4096xi32, #tpu.memory_space<vmem>>, %arg6: memref<128x384xf32, #tpu.memory_space<vmem>>, %arg7: memref<128x384xf32, #tpu.memory_space<vmem>>, %arg8: memref<!tpu.dma_semaphore, #tpu.memory_space<semaphore_mem>>, %arg9: memref<!tpu.dma_semaphore, #tpu.memory_space<semaphore_mem>>, %arg10: memref<!tpu.dma_semaphore, #tpu.memory_space<semaphore_mem>>, %arg11: memref<!tpu.dma_semaphore, #tpu.memory_space<semaphore_mem>>) attributes {dimension_semantics = [#tpu.dimension_semantics<core_parallel>, #tpu.dimension_semantics<subcore_parallel>], iteration_bounds = array<i64: 2, 16>, scalar_prefetch = 0 : i64, scratch_operands = 7 : i64, tpu.core_type = #tpu.core_type<sc_vector_subcore>, window_params = [{transform_indices = #map}, {transform_indices = #map1}, {transform_indices = #map}]} {
    %mul3A = arith.constant 2 : i32
    %mul3A_0 = arith.muli %arg1, %mul3A : i32
    %add3A = arith.addi %mul3A_0, %arg0 : i32
    %mul3A_1 = arith.constant 4096 : i32
    %mul3A_2 = arith.muli %add3A, %mul3A_1 : i32
    "tpu.region"() ({
      %run_scoped3A = tpu.sem_alloc : memref<!tpu.dma_semaphore, #tpu.memory_space<semaphore_mem>>
      %dma_start3A = tpu.memref_slice %arg3[%mul3A_2] : memref<131072xi32, #tpu.memory_space<hbm>> -> memref<4096xi32, #tpu.memory_space<hbm>>
      %dma_start3A_8 = tpu.memref_slice %arg3[%mul3A_2] : memref<131072xi32, #tpu.memory_space<hbm>> -> memref<4096xi32, #tpu.memory_space<hbm>>
      tpu.enqueue_dma source(%dma_start3A_8 : memref<4096xi32, #tpu.memory_space<hbm>>) target(%arg5 : memref<4096xi32, #tpu.memory_space<vmem>>) target_semaphore(%run_scoped3A : memref<!tpu.dma_semaphore, #tpu.memory_space<semaphore_mem>>)
      %dma_wait3A = tpu.memref_slice %arg3[%mul3A_2] : memref<131072xi32, #tpu.memory_space<hbm>> -> memref<4096xi32, #tpu.memory_space<hbm>>
      %dma_wait3A_9 = tpu.memref_slice %arg3[%mul3A_2] : memref<131072xi32, #tpu.memory_space<hbm>> -> memref<4096xi32, #tpu.memory_space<hbm>>
      tpu.wait_dma2 semaphore(%run_scoped3A : memref<!tpu.dma_semaphore, #tpu.memory_space<semaphore_mem>>) src(%dma_wait3A_9 : memref<4096xi32, #tpu.memory_space<hbm>>) dst(%arg5 : memref<4096xi32, #tpu.memory_space<vmem>>)
      tpu.yield
    }) : () -> ()
    %scan3A = arith.constant 0 : i32
    %scan3A_3 = arith.constant 0 : i32
    %scan3A_4 = arith.constant 16 : i32
    %scan3A_5 = arith.addi %scan3A_3, %scan3A_4 : i32
    %scan3A_6 = arith.constant 1 : i32
    scf.for %scan3A_8 = %scan3A_3 to %scan3A_5 step %scan3A_6  : i32 {
      %mul3A_9 = arith.constant 2 : i32
      %mul3A_10 = arith.muli %mul3A_9, %scan3A_8 : i32
      %mul3A_11 = arith.constant 2 : i32
      %mul3A_12 = arith.muli %mul3A_11, %scan3A_8 : i32
      %add3A_13 = arith.constant 1 : i32
      %add3A_14 = arith.addi %mul3A_12, %add3A_13 : i32
      %mul3A_15 = arith.constant 128 : i32
      %mul3A_16 = arith.muli %mul3A_10, %mul3A_15 : i32
      %dma_start3A = tpu.memref_slice %arg5[%mul3A_16] : memref<4096xi32, #tpu.memory_space<vmem>> -> memref<128xi32, #tpu.memory_space<vmem>>
      %dma_start3A_17 = arith.constant 0 : i32
      %dma_start3A_18 = arith.constant 0 : i32
      %dma_start3A_19 = tpu.memref_slice %arg2[%dma_start3A_17, %dma_start3A_18] : memref<8192x384xf32, #tpu.memory_space<hbm>> -> memref<8192x384xf32, #tpu.memory_space<hbm>>
      tpu.enqueue_indirect_dma source(%dma_start3A_19 : memref<8192x384xf32, #tpu.memory_space<hbm>>) target(%arg6 : memref<128x384xf32, #tpu.memory_space<vmem>>) offsets(%dma_start3A : memref<128xi32, #tpu.memory_space<vmem>>) semaphore(%arg8 : memref<!tpu.dma_semaphore, #tpu.memory_space<semaphore_mem>>)
      %mul3A_20 = arith.constant 128 : i32
      %mul3A_21 = arith.muli %add3A_14, %mul3A_20 : i32
      %dma_start3A_22 = tpu.memref_slice %arg5[%mul3A_21] : memref<4096xi32, #tpu.memory_space<vmem>> -> memref<128xi32, #tpu.memory_space<vmem>>
      %dma_start3A_23 = arith.constant 0 : i32
      %dma_start3A_24 = arith.constant 0 : i32
      %dma_start3A_25 = tpu.memref_slice %arg2[%dma_start3A_23, %dma_start3A_24] : memref<8192x384xf32, #tpu.memory_space<hbm>> -> memref<8192x384xf32, #tpu.memory_space<hbm>>
      tpu.enqueue_indirect_dma source(%dma_start3A_25 : memref<8192x384xf32, #tpu.memory_space<hbm>>) target(%arg7 : memref<128x384xf32, #tpu.memory_space<vmem>>) offsets(%dma_start3A_22 : memref<128xi32, #tpu.memory_space<vmem>>) semaphore(%arg9 : memref<!tpu.dma_semaphore, #tpu.memory_space<semaphore_mem>>)
      %dma_wait3A = tpu.memref_slice %arg5[%mul3A_16] : memref<4096xi32, #tpu.memory_space<vmem>> -> memref<128xi32, #tpu.memory_space<vmem>>
      %dma_wait3A_26 = arith.constant 0 : i32
      %dma_wait3A_27 = arith.constant 0 : i32
      %dma_wait3A_28 = tpu.memref_slice %arg2[%dma_wait3A_26, %dma_wait3A_27] : memref<8192x384xf32, #tpu.memory_space<hbm>> -> memref<8192x384xf32, #tpu.memory_space<hbm>>
      tpu.wait_indirect_dma semaphore(%arg8 : memref<!tpu.dma_semaphore, #tpu.memory_space<semaphore_mem>>) src(%dma_wait3A_28 : memref<8192x384xf32, #tpu.memory_space<hbm>>) dst(%arg6 : memref<128x384xf32, #tpu.memory_space<vmem>>)
      %mul3A_29 = arith.constant 128 : i32
      %mul3A_30 = arith.muli %mul3A_10, %mul3A_29 : i32
      %add3A_31 = arith.addi %mul3A_2, %mul3A_30 : i32
      %dma_start3A_32 = arith.constant 0 : i32
      %dma_start3A_33 = tpu.memref_slice %arg4[%add3A_31, %dma_start3A_32] : memref<131072x384xf32, #tpu.memory_space<hbm>> -> memref<128x384xf32, #tpu.memory_space<hbm>>
      %dma_start3A_34 = arith.constant 0 : i32
      %dma_start3A_35 = tpu.memref_slice %arg4[%add3A_31, %dma_start3A_34] : memref<131072x384xf32, #tpu.memory_space<hbm>> -> memref<128x384xf32, #tpu.memory_space<hbm>>
      tpu.enqueue_dma source(%arg6 : memref<128x384xf32, #tpu.memory_space<vmem>>) target(%dma_start3A_35 : memref<128x384xf32, #tpu.memory_space<hbm>>) target_semaphore(%arg10 : memref<!tpu.dma_semaphore, #tpu.memory_space<semaphore_mem>>)
      %dma_wait3A_36 = tpu.memref_slice %arg5[%mul3A_21] : memref<4096xi32, #tpu.memory_space<vmem>> -> memref<128xi32, #tpu.memory_space<vmem>>
      %dma_wait3A_37 = arith.constant 0 : i32
      %dma_wait3A_38 = arith.constant 0 : i32
      %dma_wait3A_39 = tpu.memref_slice %arg2[%dma_wait3A_37, %dma_wait3A_38] : memref<8192x384xf32, #tpu.memory_space<hbm>> -> memref<8192x384xf32, #tpu.memory_space<hbm>>
      tpu.wait_indirect_dma semaphore(%arg9 : memref<!tpu.dma_semaphore, #tpu.memory_space<semaphore_mem>>) src(%dma_wait3A_39 : memref<8192x384xf32, #tpu.memory_space<hbm>>) dst(%arg7 : memref<128x384xf32, #tpu.memory_space<vmem>>)
      %mul3A_40 = arith.constant 128 : i32
      %mul3A_41 = arith.muli %add3A_14, %mul3A_40 : i32
      %add3A_42 = arith.addi %mul3A_2, %mul3A_41 : i32
      %dma_start3A_43 = arith.constant 0 : i32
      %dma_start3A_44 = tpu.memref_slice %arg4[%add3A_42, %dma_start3A_43] : memref<131072x384xf32, #tpu.memory_space<hbm>> -> memref<128x384xf32, #tpu.memory_space<hbm>>
      %dma_start3A_45 = arith.constant 0 : i32
      %dma_start3A_46 = tpu.memref_slice %arg4[%add3A_42, %dma_start3A_45] : memref<131072x384xf32, #tpu.memory_space<hbm>> -> memref<128x384xf32, #tpu.memory_space<hbm>>
      tpu.enqueue_dma source(%arg7 : memref<128x384xf32, #tpu.memory_space<vmem>>) target(%dma_start3A_46 : memref<128x384xf32, #tpu.memory_space<hbm>>) target_semaphore(%arg11 : memref<!tpu.dma_semaphore, #tpu.memory_space<semaphore_mem>>)
      %dma_wait3A_47 = arith.constant 0 : i32
      %dma_wait3A_48 = tpu.memref_slice %arg4[%add3A_31, %dma_wait3A_47] : memref<131072x384xf32, #tpu.memory_space<hbm>> -> memref<128x384xf32, #tpu.memory_space<hbm>>
      %dma_wait3A_49 = arith.constant 0 : i32
      %dma_wait3A_50 = tpu.memref_slice %arg4[%add3A_31, %dma_wait3A_49] : memref<131072x384xf32, #tpu.memory_space<hbm>> -> memref<128x384xf32, #tpu.memory_space<hbm>>
      tpu.wait_dma2 semaphore(%arg10 : memref<!tpu.dma_semaphore, #tpu.memory_space<semaphore_mem>>) src(%arg6 : memref<128x384xf32, #tpu.memory_space<vmem>>) dst(%dma_wait3A_50 : memref<128x384xf32, #tpu.memory_space<hbm>>)
      %dma_wait3A_51 = arith.constant 0 : i32
      %dma_wait3A_52 = tpu.memref_slice %arg4[%add3A_42, %dma_wait3A_51] : memref<131072x384xf32, #tpu.memory_space<hbm>> -> memref<128x384xf32, #tpu.memory_space<hbm>>
      %dma_wait3A_53 = arith.constant 0 : i32
      %dma_wait3A_54 = tpu.memref_slice %arg4[%add3A_42, %dma_wait3A_53] : memref<131072x384xf32, #tpu.memory_space<hbm>> -> memref<128x384xf32, #tpu.memory_space<hbm>>
      tpu.wait_dma2 semaphore(%arg11 : memref<!tpu.dma_semaphore, #tpu.memory_space<semaphore_mem>>) src(%arg7 : memref<128x384xf32, #tpu.memory_space<vmem>>) dst(%dma_wait3A_54 : memref<128x384xf32, #tpu.memory_space<hbm>>)
    }
    %scan3A_7 = arith.constant 16 : i32
    return
  }
}

module attributes {stable_mosaic.version = 14 : i64} {
  func.func @_attn_body(%arg0: i32, %arg1: memref<4096x128xf32, #tpu.memory_space<vmem>>, %arg2: memref<4096x128xf32, #tpu.memory_space<vmem>>, %arg3: memref<4096x128xf32, #tpu.memory_space<vmem>>, %arg4: memref<256x128xf32, #tpu.memory_space<vmem>>, %arg5: memref<256x128xf32, #tpu.memory_space<vmem>>, %arg6: memref<256x512xf32, #tpu.memory_space<vmem>>, %arg7: memref<1x128xf32, #tpu.memory_space<vmem>>, %arg8: memref<128x128xf32, #tpu.memory_space<vmem>>, %arg9: memref<1x128xf32, #tpu.memory_space<vmem>>, %arg10: memref<128x128xf32, #tpu.memory_space<vmem>>, %arg11: memref<1x128xf32, #tpu.memory_space<vmem>>, %arg12: memref<128x128xf32, #tpu.memory_space<vmem>>, %arg13: memref<1x128xf32, #tpu.memory_space<vmem>>, %arg14: memref<128x512xf32, #tpu.memory_space<vmem>>, %arg15: memref<1x512xf32, #tpu.memory_space<vmem>>, %arg16: memref<256x512xf32, #tpu.memory_space<vmem>>) attributes {dimension_semantics = [#tpu.dimension_semantics<arbitrary>], iteration_bounds = array<i64: 32>, scalar_prefetch = 0 : i64, scratch_operands = 0 : i64, tpu.core_type = #tpu.core_type<tc>, window_params = [{transform_indices = @transform_0, window_bounds = array<i64: 4096, 128>}, {transform_indices = @transform_1, window_bounds = array<i64: 4096, 128>}, {transform_indices = @transform_2, window_bounds = array<i64: 4096, 128>}, {transform_indices = @transform_3, window_bounds = array<i64: 256, 128>}, {transform_indices = @transform_4, window_bounds = array<i64: 256, 128>}, {transform_indices = @transform_5, window_bounds = array<i64: 256, 512>}, {pipeline_mode = #tpu.pipeline_mode<synchronous>, transform_indices = @transform_6, window_bounds = array<i64: 1, 128>}, {pipeline_mode = #tpu.pipeline_mode<synchronous>, transform_indices = @transform_7, window_bounds = array<i64: 128, 128>}, {pipeline_mode = #tpu.pipeline_mode<synchronous>, transform_indices = @transform_8, window_bounds = array<i64: 1, 128>}, {pipeline_mode = #tpu.pipeline_mode<synchronous>, transform_indices = @transform_9, window_bounds = array<i64: 128, 128>}, {pipeline_mode = #tpu.pipeline_mode<synchronous>, transform_indices = @transform_10, window_bounds = array<i64: 1, 128>}, {pipeline_mode = #tpu.pipeline_mode<synchronous>, transform_indices = @transform_11, window_bounds = array<i64: 128, 128>}, {pipeline_mode = #tpu.pipeline_mode<synchronous>, transform_indices = @transform_12, window_bounds = array<i64: 1, 128>}, {pipeline_mode = #tpu.pipeline_mode<synchronous>, transform_indices = @transform_13, window_bounds = array<i64: 128, 512>}, {pipeline_mode = #tpu.pipeline_mode<synchronous>, transform_indices = @transform_14, window_bounds = array<i64: 1, 512>}, {transform_indices = @transform_15, window_bounds = array<i64: 256, 512>}]} {
    %get3A = arith.constant 0 : index
    %get3A_0 = arith.constant 0 : index
    %get3A_1 = vector.load %arg5[%get3A, %get3A_0] : memref<256x128xf32, #tpu.memory_space<vmem>>, vector<256x128xf32>
    %broadcast_in_dim3A = vector.shape_cast %get3A_1 : vector<256x128xf32> to vector<256x1x128xf32>
    %broadcast_in_dim3A_2 = vector.shape_cast %broadcast_in_dim3A : vector<256x1x128xf32> to vector<256x1x128xf32>
    %broadcast_in_dim3A_3 = vector.broadcast %broadcast_in_dim3A_2 : vector<256x1x128xf32> to vector<256x16x128xf32>
    %reshape3A = vector.shape_cast %broadcast_in_dim3A_3 : vector<256x16x128xf32> to vector<4096x128xf32>
    %get3A_4 = arith.constant 0 : index
    %get3A_5 = arith.constant 0 : index
    %get3A_6 = vector.load %arg3[%get3A_4, %get3A_5] : memref<4096x128xf32, #tpu.memory_space<vmem>>, vector<4096x128xf32>
    %sub3A = arith.subf %reshape3A, %get3A_6 : vector<4096x128xf32>
    %get3A_7 = arith.constant 0 : index
    %get3A_8 = arith.constant 0 : index
    %get3A_9 = vector.load %arg7[%get3A_7, %get3A_8] : memref<1x128xf32, #tpu.memory_space<vmem>>, vector<1x128xf32>
    %add3A = vector.broadcast %get3A_9 : vector<1x128xf32> to vector<4096x128xf32>
    %add3A_10 = arith.addf %sub3A, %add3A : vector<4096x128xf32>
    %max3A = arith.constant 0.000000e+00 : f32
    %max3A_11 = vector.broadcast %max3A : f32 to vector<4096x128xf32>
    %max3A_12 = arith.maximumf %add3A_10, %max3A_11 : vector<4096x128xf32>
    %get3A_13 = arith.constant 0 : index
    %get3A_14 = arith.constant 0 : index
    %get3A_15 = vector.load %arg8[%get3A_13, %get3A_14] : memref<128x128xf32, #tpu.memory_space<vmem>>, vector<128x128xf32>
    %dot_general3A = arith.constant dense<0.000000e+00> : vector<4096x128xf32>
    %dot_general3A_16 = tpu.matmul %max3A_12, %get3A_15, %dot_general3A {dimension_numbers = #tpu.dot_dimension_numbers<[1], [0], [0], [1], [0, 0, 1, 1], [], []>, transpose_lhs_hint = false} : vector<4096x128xf32>, vector<128x128xf32>, vector<4096x128xf32> -> vector<4096x128xf32>
    %get3A_17 = arith.constant 0 : index
    %get3A_18 = arith.constant 0 : index
    %get3A_19 = vector.load %arg9[%get3A_17, %get3A_18] : memref<1x128xf32, #tpu.memory_space<vmem>>, vector<1x128xf32>
    %add3A_20 = vector.broadcast %get3A_19 : vector<1x128xf32> to vector<4096x128xf32>
    %add3A_21 = arith.addf %dot_general3A_16, %add3A_20 : vector<4096x128xf32>
    %get3A_22 = arith.constant 0 : index
    %get3A_23 = arith.constant 0 : index
    %get3A_24 = vector.load %arg4[%get3A_22, %get3A_23] : memref<256x128xf32, #tpu.memory_space<vmem>>, vector<256x128xf32>
    %broadcast_in_dim3A_25 = vector.shape_cast %get3A_24 : vector<256x128xf32> to vector<256x1x128xf32>
    %broadcast_in_dim3A_26 = vector.shape_cast %broadcast_in_dim3A_25 : vector<256x1x128xf32> to vector<256x1x128xf32>
    %broadcast_in_dim3A_27 = vector.broadcast %broadcast_in_dim3A_26 : vector<256x1x128xf32> to vector<256x16x128xf32>
    %reshape3A_28 = vector.shape_cast %broadcast_in_dim3A_27 : vector<256x16x128xf32> to vector<4096x128xf32>
    %get3A_29 = arith.constant 0 : index
    %get3A_30 = arith.constant 0 : index
    %get3A_31 = vector.load %arg1[%get3A_29, %get3A_30] : memref<4096x128xf32, #tpu.memory_space<vmem>>, vector<4096x128xf32>
    %sub3A_32 = arith.subf %reshape3A_28, %get3A_31 : vector<4096x128xf32>
    %add3A_33 = arith.addf %sub3A_32, %add3A_21 : vector<4096x128xf32>
    %get3A_34 = arith.constant 0 : index
    %get3A_35 = arith.constant 0 : index
    %get3A_36 = vector.load %arg10[%get3A_34, %get3A_35] : memref<128x128xf32, #tpu.memory_space<vmem>>, vector<128x128xf32>
    %dot_general3A_37 = arith.constant dense<0.000000e+00> : vector<4096x128xf32>
    %dot_general3A_38 = tpu.matmul %add3A_33, %get3A_36, %dot_general3A_37 {dimension_numbers = #tpu.dot_dimension_numbers<[1], [0], [0], [1], [0, 0, 1, 1], [], []>, transpose_lhs_hint = false} : vector<4096x128xf32>, vector<128x128xf32>, vector<4096x128xf32> -> vector<4096x128xf32>
    %get3A_39 = arith.constant 0 : index
    %get3A_40 = arith.constant 0 : index
    %get3A_41 = vector.load %arg11[%get3A_39, %get3A_40] : memref<1x128xf32, #tpu.memory_space<vmem>>, vector<1x128xf32>
    %add3A_42 = vector.broadcast %get3A_41 : vector<1x128xf32> to vector<4096x128xf32>
    %add3A_43 = arith.addf %dot_general3A_38, %add3A_42 : vector<4096x128xf32>
    %max3A_44 = arith.constant 0.000000e+00 : f32
    %max3A_45 = vector.broadcast %max3A_44 : f32 to vector<4096x128xf32>
    %max3A_46 = arith.maximumf %add3A_43, %max3A_45 : vector<4096x128xf32>
    %get3A_47 = arith.constant 0 : index
    %get3A_48 = arith.constant 0 : index
    %get3A_49 = vector.load %arg12[%get3A_47, %get3A_48] : memref<128x128xf32, #tpu.memory_space<vmem>>, vector<128x128xf32>
    %dot_general3A_50 = arith.constant dense<0.000000e+00> : vector<4096x128xf32>
    %dot_general3A_51 = tpu.matmul %max3A_46, %get3A_49, %dot_general3A_50 {dimension_numbers = #tpu.dot_dimension_numbers<[1], [0], [0], [1], [0, 0, 1, 1], [], []>, transpose_lhs_hint = false} : vector<4096x128xf32>, vector<128x128xf32>, vector<4096x128xf32> -> vector<4096x128xf32>
    %get3A_52 = arith.constant 0 : index
    %get3A_53 = arith.constant 0 : index
    %get3A_54 = vector.load %arg13[%get3A_52, %get3A_53] : memref<1x128xf32, #tpu.memory_space<vmem>>, vector<1x128xf32>
    %add3A_55 = vector.broadcast %get3A_54 : vector<1x128xf32> to vector<4096x128xf32>
    %add3A_56 = arith.addf %dot_general3A_51, %add3A_55 : vector<4096x128xf32>
    %reshape3A_57 = vector.shape_cast %add3A_56 : vector<4096x128xf32> to vector<256x16x128xf32>
    %reduce_max3A = arith.constant dense<0xFF800000> : vector<256x128xf32>
    %reduce_max3A_58 = vector.multi_reduction <maximumf>, %reshape3A_57, %reduce_max3A [1] : vector<256x16x128xf32> to vector<256x128xf32>
    %broadcast_in_dim3A_59 = vector.shape_cast %reduce_max3A_58 : vector<256x128xf32> to vector<256x1x128xf32>
    %sub3A_60 = vector.broadcast %broadcast_in_dim3A_59 : vector<256x1x128xf32> to vector<256x16x128xf32>
    %sub3A_61 = arith.subf %reshape3A_57, %sub3A_60 : vector<256x16x128xf32>
    %exp3A = math.exp %sub3A_61 : vector<256x16x128xf32>
    %reduce_sum3A = arith.constant dense<0.000000e+00> : vector<256x128xf32>
    %reduce_sum3A_62 = vector.multi_reduction <add>, %exp3A, %reduce_sum3A [1] : vector<256x16x128xf32> to vector<256x128xf32>
    %broadcast_in_dim3A_63 = vector.shape_cast %reduce_sum3A_62 : vector<256x128xf32> to vector<256x1x128xf32>
    %div3A = vector.broadcast %broadcast_in_dim3A_63 : vector<256x1x128xf32> to vector<256x16x128xf32>
    %div3A_64 = arith.divf %exp3A, %div3A : vector<256x16x128xf32>
    %get3A_65 = arith.constant 0 : index
    %get3A_66 = arith.constant 0 : index
    %get3A_67 = vector.load %arg2[%get3A_65, %get3A_66] : memref<4096x128xf32, #tpu.memory_space<vmem>>, vector<4096x128xf32>
    %add3A_68 = arith.addf %get3A_67, %add3A_21 : vector<4096x128xf32>
    %reshape3A_69 = vector.shape_cast %add3A_68 : vector<4096x128xf32> to vector<256x16x128xf32>
    %mul3A = arith.mulf %div3A_64, %reshape3A_69 : vector<256x16x128xf32>
    %reduce_sum3A_70 = arith.constant dense<0.000000e+00> : vector<256x128xf32>
    %reduce_sum3A_71 = vector.multi_reduction <add>, %mul3A, %reduce_sum3A_70 [1] : vector<256x16x128xf32> to vector<256x128xf32>
    %get3A_72 = arith.constant 0 : index
    %get3A_73 = arith.constant 0 : index
    %get3A_74 = vector.load %arg14[%get3A_72, %get3A_73] : memref<128x512xf32, #tpu.memory_space<vmem>>, vector<128x512xf32>
    %dot_general3A_75 = arith.constant dense<0.000000e+00> : vector<256x512xf32>
    %dot_general3A_76 = tpu.matmul %reduce_sum3A_71, %get3A_74, %dot_general3A_75 {dimension_numbers = #tpu.dot_dimension_numbers<[1], [0], [0], [1], [0, 0, 1, 1], [], []>, transpose_lhs_hint = false} : vector<256x128xf32>, vector<128x512xf32>, vector<256x512xf32> -> vector<256x512xf32>
    %get3A_77 = arith.constant 0 : index
    %get3A_78 = arith.constant 0 : index
    %get3A_79 = vector.load %arg15[%get3A_77, %get3A_78] : memref<1x512xf32, #tpu.memory_space<vmem>>, vector<1x512xf32>
    %add3A_80 = vector.broadcast %get3A_79 : vector<1x512xf32> to vector<256x512xf32>
    %add3A_81 = arith.addf %dot_general3A_76, %add3A_80 : vector<256x512xf32>
    %get3A_82 = arith.constant 0 : index
    %get3A_83 = arith.constant 0 : index
    %get3A_84 = vector.load %arg6[%get3A_82, %get3A_83] : memref<256x512xf32, #tpu.memory_space<vmem>>, vector<256x512xf32>
    %add3A_85 = arith.addf %get3A_84, %add3A_81 : vector<256x512xf32>
    %swap3A = arith.constant 0 : index
    %swap3A_86 = arith.constant 0 : index
    %swap3A_87 = vector.load %arg16[%swap3A, %swap3A_86] : memref<256x512xf32, #tpu.memory_space<vmem>>, vector<256x512xf32>
    tpu.vector_store %arg16[%swap3A, %swap3A_86], %add3A_85 {strides = array<i32>} : memref<256x512xf32, #tpu.memory_space<vmem>>, vector<256x512xf32>,
    return
  }
  func.func @transform_0(%arg0: i32) -> (i32, i32) {
    %c0_i32 = arith.constant 0 : i32
    %c0_i32_0 = arith.constant 0 : i32
    return %arg0, %c0_i32 : i32, i32
  }
  func.func @transform_1(%arg0: i32) -> (i32, i32) {
    %c1_i32 = arith.constant 1 : i32
    %c0_i32 = arith.constant 0 : i32
    return %arg0, %c1_i32 : i32, i32
  }
  func.func @transform_2(%arg0: i32) -> (i32, i32) {
    %c2_i32 = arith.constant 2 : i32
    %c0_i32 = arith.constant 0 : i32
    return %arg0, %c2_i32 : i32, i32
  }
  func.func @transform_3(%arg0: i32) -> (i32, i32) {
    %c0_i32 = arith.constant 0 : i32
    %c0_i32_0 = arith.constant 0 : i32
    return %arg0, %c0_i32 : i32, i32
  }
  func.func @transform_4(%arg0: i32) -> (i32, i32) {
    %c2_i32 = arith.constant 2 : i32
    %c0_i32 = arith.constant 0 : i32
    return %arg0, %c2_i32 : i32, i32
  }
  func.func @transform_5(%arg0: i32) -> (i32, i32) {
    %c0_i32 = arith.constant 0 : i32
    %c0_i32_0 = arith.constant 0 : i32
    return %arg0, %c0_i32 : i32, i32
  }
  func.func @transform_6(%arg0: i32) -> (i32, i32) {
    %c0_i32 = arith.constant 0 : i32
    %c0_i32_0 = arith.constant 0 : i32
    %c0_i32_1 = arith.constant 0 : i32
    return %c0_i32, %c0_i32_0 : i32, i32
  }
  func.func @transform_7(%arg0: i32) -> (i32, i32) {
    %c0_i32 = arith.constant 0 : i32
    %c0_i32_0 = arith.constant 0 : i32
    %c0_i32_1 = arith.constant 0 : i32
    return %c0_i32, %c0_i32_0 : i32, i32
  }
  func.func @transform_8(%arg0: i32) -> (i32, i32) {
    %c0_i32 = arith.constant 0 : i32
    %c0_i32_0 = arith.constant 0 : i32
    %c0_i32_1 = arith.constant 0 : i32
    return %c0_i32, %c0_i32_0 : i32, i32
  }
  func.func @transform_9(%arg0: i32) -> (i32, i32) {
    %c0_i32 = arith.constant 0 : i32
    %c0_i32_0 = arith.constant 0 : i32
    %c0_i32_1 = arith.constant 0 : i32
    return %c0_i32, %c0_i32_0 : i32, i32
  }
  func.func @transform_10(%arg0: i32) -> (i32, i32) {
    %c0_i32 = arith.constant 0 : i32
    %c0_i32_0 = arith.constant 0 : i32
    %c0_i32_1 = arith.constant 0 : i32
    return %c0_i32, %c0_i32_0 : i32, i32
  }
  func.func @transform_11(%arg0: i32) -> (i32, i32) {
    %c0_i32 = arith.constant 0 : i32
    %c0_i32_0 = arith.constant 0 : i32
    %c0_i32_1 = arith.constant 0 : i32
    return %c0_i32, %c0_i32_0 : i32, i32
  }
  func.func @transform_12(%arg0: i32) -> (i32, i32) {
    %c0_i32 = arith.constant 0 : i32
    %c0_i32_0 = arith.constant 0 : i32
    %c0_i32_1 = arith.constant 0 : i32
    return %c0_i32, %c0_i32_0 : i32, i32
  }
  func.func @transform_13(%arg0: i32) -> (i32, i32) {
    %c0_i32 = arith.constant 0 : i32
    %c0_i32_0 = arith.constant 0 : i32
    %c0_i32_1 = arith.constant 0 : i32
    return %c0_i32, %c0_i32_0 : i32, i32
  }
  func.func @transform_14(%arg0: i32) -> (i32, i32) {
    %c0_i32 = arith.constant 0 : i32
    %c0_i32_0 = arith.constant 0 : i32
    %c0_i32_1 = arith.constant 0 : i32
    return %c0_i32, %c0_i32_0 : i32, i32
  }
  func.func @transform_15(%arg0: i32) -> (i32, i32) {
    %c0_i32 = arith.constant 0 : i32
    %c0_i32_0 = arith.constant 0 : i32
    return %arg0, %c0_i32 : i32, i32
  }
}

module attributes {stable_mosaic.version = 14 : i64} {
  func.func @_encode_knn_body(%arg0: i32, %arg1: memref<32xi32, #tpu.memory_space<smem>>, %arg2: memref<32xi32, #tpu.memory_space<smem>>, %arg3: memref<256x512xf32, #tpu.memory_space<vmem>>, %arg4: memref<256x16xf32, #tpu.memory_space<vmem>>, %arg5: memref<16x8192xf32, #tpu.memory_space<vmem>>, %arg6: memref<256x1xf32, #tpu.memory_space<vmem>>, %arg7: memref<1x8192xf32, #tpu.memory_space<vmem>>, %arg8: memref<512x128xf32, #tpu.memory_space<vmem>>, %arg9: memref<1x128xf32, #tpu.memory_space<vmem>>, %arg10: memref<128x128xf32, #tpu.memory_space<vmem>>, %arg11: memref<1x128xf32, #tpu.memory_space<vmem>>, %arg12: memref<128x128xf32, #tpu.memory_space<vmem>>, %arg13: memref<1x128xf32, #tpu.memory_space<vmem>>, %arg14: memref<128x128xf32, #tpu.memory_space<vmem>>, %arg15: memref<1x128xf32, #tpu.memory_space<vmem>>, %arg16: memref<16x128xf32, #tpu.memory_space<vmem>>, %arg17: memref<256x128xf32, #tpu.memory_space<vmem>>, %arg18: memref<256x384xf32, #tpu.memory_space<vmem>>, %arg19: memref<256x16xi32, #tpu.memory_space<vmem>>) attributes {dimension_semantics = [#tpu.dimension_semantics<arbitrary>], iteration_bounds = array<i64: 32>, scalar_prefetch = 2 : i64, scratch_operands = 0 : i64, tpu.core_type = #tpu.core_type<tc>, window_params = [{transform_indices = @transform_0, window_bounds = array<i64: 256, 512>}, {transform_indices = @transform_1, window_bounds = array<i64: 256, 16>}, {pipeline_mode = #tpu.pipeline_mode<synchronous>, transform_indices = @transform_2, window_bounds = array<i64: 16, 8192>}, {transform_indices = @transform_3, window_bounds = array<i64: 256, 1>}, {pipeline_mode = #tpu.pipeline_mode<synchronous>, transform_indices = @transform_4, window_bounds = array<i64: 1, 8192>}, {pipeline_mode = #tpu.pipeline_mode<synchronous>, transform_indices = @transform_5, window_bounds = array<i64: 512, 128>}, {pipeline_mode = #tpu.pipeline_mode<synchronous>, transform_indices = @transform_6, window_bounds = array<i64: 1, 128>}, {pipeline_mode = #tpu.pipeline_mode<synchronous>, transform_indices = @transform_7, window_bounds = array<i64: 128, 128>}, {pipeline_mode = #tpu.pipeline_mode<synchronous>, transform_indices = @transform_8, window_bounds = array<i64: 1, 128>}, {pipeline_mode = #tpu.pipeline_mode<synchronous>, transform_indices = @transform_9, window_bounds = array<i64: 128, 128>}, {pipeline_mode = #tpu.pipeline_mode<synchronous>, transform_indices = @transform_10, window_bounds = array<i64: 1, 128>}, {pipeline_mode = #tpu.pipeline_mode<synchronous>, transform_indices = @transform_11, window_bounds = array<i64: 128, 128>}, {pipeline_mode = #tpu.pipeline_mode<synchronous>, transform_indices = @transform_12, window_bounds = array<i64: 1, 128>}, {pipeline_mode = #tpu.pipeline_mode<synchronous>, transform_indices = @transform_13, window_bounds = array<i64: 16, 128>}, {transform_indices = @transform_14, window_bounds = array<i64: 256, 128>}, {transform_indices = @transform_15, window_bounds = array<i64: 256, 384>}, {transform_indices = @transform_16, window_bounds = array<i64: 256, 16>}]} {
    %get3A = arith.constant 0 : index
    %get3A_0 = arith.constant 0 : index
    %get3A_1 = vector.load %arg3[%get3A, %get3A_0] : memref<256x512xf32, #tpu.memory_space<vmem>>, vector<256x512xf32>
    %get3A_2 = arith.constant 0 : index
    %get3A_3 = arith.constant 0 : index
    %get3A_4 = vector.load %arg8[%get3A_2, %get3A_3] : memref<512x128xf32, #tpu.memory_space<vmem>>, vector<512x128xf32>
    %dot_general3A = arith.constant dense<0.000000e+00> : vector<256x128xf32>
    %dot_general3A_5 = tpu.matmul %get3A_1, %get3A_4, %dot_general3A {dimension_numbers = #tpu.dot_dimension_numbers<[1], [0], [0], [1], [0, 0, 1, 1], [], []>, transpose_lhs_hint = false} : vector<256x512xf32>, vector<512x128xf32>, vector<256x128xf32> -> vector<256x128xf32>
    %get3A_6 = arith.constant 0 : index
    %get3A_7 = arith.constant 0 : index
    %get3A_8 = vector.load %arg9[%get3A_6, %get3A_7] : memref<1x128xf32, #tpu.memory_space<vmem>>, vector<1x128xf32>
    %add3A = vector.broadcast %get3A_8 : vector<1x128xf32> to vector<256x128xf32>
    %add3A_9 = arith.addf %dot_general3A_5, %add3A : vector<256x128xf32>
    %get3A_10 = arith.constant 0 : index
    %get3A_11 = arith.constant 0 : index
    %get3A_12 = vector.load %arg10[%get3A_10, %get3A_11] : memref<128x128xf32, #tpu.memory_space<vmem>>, vector<128x128xf32>
    %dot_general3A_13 = arith.constant dense<0.000000e+00> : vector<256x128xf32>
    %dot_general3A_14 = tpu.matmul %add3A_9, %get3A_12, %dot_general3A_13 {dimension_numbers = #tpu.dot_dimension_numbers<[1], [0], [0], [1], [0, 0, 1, 1], [], []>, transpose_lhs_hint = false} : vector<256x128xf32>, vector<128x128xf32>, vector<256x128xf32> -> vector<256x128xf32>
    %get3A_15 = arith.constant 0 : index
    %get3A_16 = arith.constant 0 : index
    %get3A_17 = vector.load %arg11[%get3A_15, %get3A_16] : memref<1x128xf32, #tpu.memory_space<vmem>>, vector<1x128xf32>
    %add3A_18 = vector.broadcast %get3A_17 : vector<1x128xf32> to vector<256x128xf32>
    %add3A_19 = arith.addf %dot_general3A_14, %add3A_18 : vector<256x128xf32>
    %swap3A = arith.constant 0 : index
    %swap3A_20 = arith.constant 0 : index
    %swap3A_21 = vector.load %arg17[%swap3A, %swap3A_20] : memref<256x128xf32, #tpu.memory_space<vmem>>, vector<256x128xf32>
    tpu.vector_store %arg17[%swap3A, %swap3A_20], %add3A_19 {strides = array<i32>} : memref<256x128xf32, #tpu.memory_space<vmem>>, vector<256x128xf32>,
    %get3A_22 = arith.constant 0 : index
    %get3A_23 = arith.constant 0 : index
    %get3A_24 = vector.load %arg12[%get3A_22, %get3A_23] : memref<128x128xf32, #tpu.memory_space<vmem>>, vector<128x128xf32>
    %dot_general3A_25 = arith.constant dense<0.000000e+00> : vector<256x128xf32>
    %dot_general3A_26 = tpu.matmul %add3A_9, %get3A_24, %dot_general3A_25 {dimension_numbers = #tpu.dot_dimension_numbers<[1], [0], [0], [1], [0, 0, 1, 1], [], []>, transpose_lhs_hint = false} : vector<256x128xf32>, vector<128x128xf32>, vector<256x128xf32> -> vector<256x128xf32>
    %get3A_27 = arith.constant 0 : index
    %get3A_28 = arith.constant 0 : index
    %get3A_29 = vector.load %arg13[%get3A_27, %get3A_28] : memref<1x128xf32, #tpu.memory_space<vmem>>, vector<1x128xf32>
    %add3A_30 = vector.broadcast %get3A_29 : vector<1x128xf32> to vector<256x128xf32>
    %add3A_31 = arith.addf %dot_general3A_26, %add3A_30 : vector<256x128xf32>
    %swap3A_32 = arith.constant 0 : index
    %swap3A_33 = arith.constant 0 : index
    %swap3A_34 = vector.load %arg18[%swap3A_32, %swap3A_33] : memref<256x384xf32, #tpu.memory_space<vmem>>, vector<256x128xf32>
    tpu.vector_store %arg18[%swap3A_32, %swap3A_33], %add3A_31 {strides = array<i32>} : memref<256x384xf32, #tpu.memory_space<vmem>>, vector<256x128xf32>,
    %get3A_35 = arith.constant 0 : index
    %get3A_36 = arith.constant 0 : index
    %get3A_37 = vector.load %arg14[%get3A_35, %get3A_36] : memref<128x128xf32, #tpu.memory_space<vmem>>, vector<128x128xf32>
    %dot_general3A_38 = arith.constant dense<0.000000e+00> : vector<256x128xf32>
    %dot_general3A_39 = tpu.matmul %add3A_9, %get3A_37, %dot_general3A_38 {dimension_numbers = #tpu.dot_dimension_numbers<[1], [0], [0], [1], [0, 0, 1, 1], [], []>, transpose_lhs_hint = false} : vector<256x128xf32>, vector<128x128xf32>, vector<256x128xf32> -> vector<256x128xf32>
    %get3A_40 = arith.constant 0 : index
    %get3A_41 = arith.constant 0 : index
    %get3A_42 = vector.load %arg15[%get3A_40, %get3A_41] : memref<1x128xf32, #tpu.memory_space<vmem>>, vector<1x128xf32>
    %add3A_43 = vector.broadcast %get3A_42 : vector<1x128xf32> to vector<256x128xf32>
    %add3A_44 = arith.addf %dot_general3A_39, %add3A_43 : vector<256x128xf32>
    %swap3A_45 = arith.constant 0 : index
    %swap3A_46 = arith.constant 128 : index
    %swap3A_47 = vector.load %arg18[%swap3A_45, %swap3A_46] : memref<256x384xf32, #tpu.memory_space<vmem>>, vector<256x128xf32>
    tpu.vector_store %arg18[%swap3A_45, %swap3A_46], %add3A_44 {strides = array<i32>} : memref<256x384xf32, #tpu.memory_space<vmem>>, vector<256x128xf32>,
    %get3A_48 = arith.constant 0 : index
    %get3A_49 = arith.constant 0 : index
    %get3A_50 = vector.load %arg4[%get3A_48, %get3A_49] : memref<256x16xf32, #tpu.memory_space<vmem>>, vector<256x16xf32>
    %get3A_51 = arith.constant 0 : index
    %get3A_52 = arith.constant 0 : index
    %get3A_53 = vector.load %arg16[%get3A_51, %get3A_52] : memref<16x128xf32, #tpu.memory_space<vmem>>, vector<16x128xf32>
    %dot_general3A_54 = arith.constant dense<0.000000e+00> : vector<256x128xf32>
    %dot_general3A_55 = tpu.matmul %get3A_50, %get3A_53, %dot_general3A_54 {dimension_numbers = #tpu.dot_dimension_numbers<[1], [0], [0], [1], [0, 0, 1, 1], [], []>, transpose_lhs_hint = false} : vector<256x16xf32>, vector<16x128xf32>, vector<256x128xf32> -> vector<256x128xf32>
    %swap3A_56 = arith.constant 0 : index
    %swap3A_57 = arith.constant 256 : index
    %swap3A_58 = vector.load %arg18[%swap3A_56, %swap3A_57] : memref<256x384xf32, #tpu.memory_space<vmem>>, vector<256x128xf32>
    tpu.vector_store %arg18[%swap3A_56, %swap3A_57], %dot_general3A_55 {strides = array<i32>} : memref<256x384xf32, #tpu.memory_space<vmem>>, vector<256x128xf32>,
    %mul3A = arith.mulf %get3A_50, %get3A_50 : vector<256x16xf32>
    %reduce_sum3A = arith.constant dense<0.000000e+00> : vector<256xf32>
    %reduce_sum3A_59 = vector.multi_reduction <add>, %mul3A, %reduce_sum3A [1] : vector<256x16xf32> to vector<256xf32>
    %broadcast_in_dim3A = vector.shape_cast %reduce_sum3A_59 : vector<256xf32> to vector<256x1xf32>
    %get3A_60 = arith.constant 0 : index
    %get3A_61 = arith.constant 0 : index
    %get3A_62 = vector.load %arg6[%get3A_60, %get3A_61] : memref<256x1xf32, #tpu.memory_space<vmem>>, vector<256x1xf32>
    %get3A_63 = arith.index_cast %arg0 : i32 to index
    %get3A_64 = memref.load %arg1[%get3A_63] : memref<32xi32, #tpu.memory_space<smem>>
    %get3A_65 = arith.index_cast %arg0 : i32 to index
    %get3A_66 = memref.load %arg2[%get3A_65] : memref<32xi32, #tpu.memory_space<smem>>
    %broadcast_in_dim3A_67 = arith.constant 0x7F800000 : f32
    %broadcast_in_dim3A_68 = vector.broadcast %broadcast_in_dim3A_67 : f32 to vector<256x16xf32>
    %iota3A = tpu.iota {dimensions = array<i32: 1>} : vector<1x16xi32>
    %convert_element_type3A = arith.sitofp %iota3A : vector<1x16xi32> to vector<1x16xf32>
    %sub3A = arith.constant -1.000000e+00 : f32
    %sub3A_69 = vector.broadcast %sub3A : f32 to vector<1x16xf32>
    %sub3A_70 = arith.subf %sub3A_69, %convert_element_type3A : vector<1x16xf32>
    %broadcast_in_dim3A_71 = vector.shape_cast %sub3A_70 : vector<1x16xf32> to vector<1x16xf32>
    %broadcast_in_dim3A_72 = vector.broadcast %broadcast_in_dim3A_71 : vector<1x16xf32> to vector<256x16xf32>
    %iota3A_73 = tpu.iota {dimensions = array<i32: 1>} : vector<256x512xi32>
    %while3A = arith.subi %get3A_66, %get3A_64 : i32
    %while3A_74 = arith.addi %get3A_64, %while3A : i32
    %while3A_75 = arith.constant 1 : i32
    %while3A_76 = arith.divsi %while3A, %while3A_75 : i32
    %while3A_77 = arith.muli %while3A_76, %while3A_75 : i32
    %while3A_78 = arith.addi %get3A_64, %while3A_77 : i32
    %while3A_79 = arith.constant 1 : i32
    %while3A_80:2 = scf.for %while3A_90 = %get3A_64 to %while3A_78 step %while3A_79 iter_args(%while3A_91 = %broadcast_in_dim3A_68, %while3A_92 = %broadcast_in_dim3A_72) -> (vector<256x16xf32>, vector<256x16xf32>)  : i32 {
      %mul3A_93 = arith.constant 512 : i32
      %mul3A_94 = arith.muli %while3A_90, %mul3A_93 : i32
      %get3A_95 = arith.constant 0 : index
      %get3A_96 = arith.index_cast %mul3A_94 : i32 to index
      %get3A_97 = vector.load %arg5[%get3A_95, %get3A_96] : memref<16x8192xf32, #tpu.memory_space<vmem>>, vector<16x512xf32>
      %dot_general3A_98 = arith.constant dense<0.000000e+00> : vector<256x512xf32>
      %dot_general3A_99 = tpu.matmul %get3A_50, %get3A_97, %dot_general3A_98 {dimension_numbers = #tpu.dot_dimension_numbers<[1], [0], [0], [1], [0, 0, 1, 1], [], []>, transpose_lhs_hint = false} : vector<256x16xf32>, vector<16x512xf32>, vector<256x512xf32> -> vector<256x512xf32>
      %mul3A_100 = arith.mulf %get3A_97, %get3A_97 : vector<16x512xf32>
      %reduce_sum3A_101 = arith.constant dense<0.000000e+00> : vector<512xf32>
      %reduce_sum3A_102 = vector.multi_reduction <add>, %mul3A_100, %reduce_sum3A_101 [0] : vector<16x512xf32> to vector<512xf32>
      %broadcast_in_dim3A_103 = vector.shape_cast %reduce_sum3A_102 : vector<512xf32> to vector<1x512xf32>
      %add3A_104 = vector.broadcast %broadcast_in_dim3A : vector<256x1xf32> to vector<256x512xf32>
      %add3A_105 = vector.broadcast %broadcast_in_dim3A_103 : vector<1x512xf32> to vector<256x512xf32>
      %add3A_106 = arith.addf %add3A_104, %add3A_105 : vector<256x512xf32>
      %mul3A_107 = arith.constant 2.000000e+00 : f32
      %mul3A_108 = vector.broadcast %mul3A_107 : f32 to vector<256x512xf32>
      %mul3A_109 = arith.mulf %mul3A_108, %dot_general3A_99 : vector<256x512xf32>
      %sub3A_110 = arith.subf %add3A_106, %mul3A_109 : vector<256x512xf32>
      %mul3A_111 = arith.constant 512 : i32
      %mul3A_112 = arith.muli %while3A_90, %mul3A_111 : i32
      %get3A_113 = arith.constant 0 : index
      %get3A_114 = arith.index_cast %mul3A_112 : i32 to index
      %get3A_115 = vector.load %arg7[%get3A_113, %get3A_114] : memref<1x8192xf32, #tpu.memory_space<vmem>>, vector<1x512xf32>
      %eq3A = vector.broadcast %get3A_62 : vector<256x1xf32> to vector<256x512xf32>
      %eq3A_116 = vector.broadcast %get3A_115 : vector<1x512xf32> to vector<256x512xf32>
      %eq3A_117 = arith.cmpf oeq, %eq3A, %eq3A_116 : vector<256x512xf32>
      %jit3A_118 = arith.constant 0x7F800000 : f32
      %broadcast_in_dim3A_119 = vector.broadcast %jit3A_118 : f32 to vector<256x512xf32>
      %select_n3A = arith.select %eq3A_117, %sub3A_110, %broadcast_in_dim3A_119 : vector<256x512xi1>, vector<256x512xf32>
      %mul3A_120 = arith.constant 512 : i32
      %mul3A_121 = arith.muli %while3A_90, %mul3A_120 : i32
      %add3A_122 = vector.broadcast %mul3A_121 : i32 to vector<256x512xi32>
      %add3A_123 = arith.addi %add3A_122, %iota3A_73 : vector<256x512xi32>
      %convert_element_type3A_124 = arith.sitofp %add3A_123 : vector<256x512xi32> to vector<256x512xf32>
      %concatenate3A = tpu.concatenate %while3A_91, %select_n3A in 1 : vector<256x16xf32>, vector<256x512xf32> -> vector<256x528xf32>
      %concatenate3A_125 = tpu.concatenate %while3A_92, %convert_element_type3A_124 in 1 : vector<256x16xf32>, vector<256x512xf32> -> vector<256x528xf32>
      %reduce_min3A = arith.constant dense<0x7F800000> : vector<256xf32>
      %reduce_min3A_126 = vector.multi_reduction <minimumf>, %concatenate3A, %reduce_min3A [1] : vector<256x528xf32> to vector<256xf32>
      %broadcast_in_dim3A_127 = vector.shape_cast %reduce_min3A_126 : vector<256xf32> to vector<256x1xf32>
      %eq3A_128 = vector.broadcast %broadcast_in_dim3A_127 : vector<256x1xf32> to vector<256x528xf32>
      %eq3A_129 = arith.cmpf oeq, %concatenate3A, %eq3A_128 : vector<256x528xf32>
      %jit3A_130 = arith.constant 8.192000e+03 : f32
      %broadcast_in_dim3A_131 = vector.broadcast %jit3A_130 : f32 to vector<256x528xf32>
      %select_n3A_132 = arith.select %eq3A_129, %concatenate3A_125, %broadcast_in_dim3A_131 : vector<256x528xi1>, vector<256x528xf32>
      %reduce_min3A_133 = arith.constant dense<0x7F800000> : vector<256xf32>
      %reduce_min3A_134 = vector.multi_reduction <minimumf>, %select_n3A_132, %reduce_min3A_133 [1] : vector<256x528xf32> to vector<256xf32>
      %broadcast_in_dim3A_135 = vector.shape_cast %reduce_min3A_134 : vector<256xf32> to vector<256x1xf32>
      %eq3A_136 = vector.broadcast %broadcast_in_dim3A_135 : vector<256x1xf32> to vector<256x528xf32>
      %eq3A_137 = arith.cmpf oeq, %select_n3A_132, %eq3A_136 : vector<256x528xf32>
      %jit3A_138 = arith.constant 0x7F800000 : f32
      %broadcast_in_dim3A_139 = vector.broadcast %jit3A_138 : f32 to vector<256x528xf32>
      %select_n3A_140 = arith.select %eq3A_137, %broadcast_in_dim3A_139, %concatenate3A : vector<256x528xi1>, vector<256x528xf32>
      %reduce_min3A_141 = arith.constant dense<0x7F800000> : vector<256xf32>
      %reduce_min3A_142 = vector.multi_reduction <minimumf>, %select_n3A_140, %reduce_min3A_141 [1] : vector<256x528xf32> to vector<256xf32>
      %broadcast_in_dim3A_143 = vector.shape_cast %reduce_min3A_142 : vector<256xf32> to vector<256x1xf32>
      %eq3A_144 = vector.broadcast %broadcast_in_dim3A_143 : vector<256x1xf32> to vector<256x528xf32>
      %eq3A_145 = arith.cmpf oeq, %select_n3A_140, %eq3A_144 : vector<256x528xf32>
      %jit3A_146 = arith.constant 8.192000e+03 : f32
      %broadcast_in_dim3A_147 = vector.broadcast %jit3A_146 : f32 to vector<256x528xf32>
      %select_n3A_148 = arith.select %eq3A_145, %concatenate3A_125, %broadcast_in_dim3A_147 : vector<256x528xi1>, vector<256x528xf32>
      %reduce_min3A_149 = arith.constant dense<0x7F800000> : vector<256xf32>
      %reduce_min3A_150 = vector.multi_reduction <minimumf>, %select_n3A_148, %reduce_min3A_149 [1] : vector<256x528xf32> to vector<256xf32>
      %broadcast_in_dim3A_151 = vector.shape_cast %reduce_min3A_150 : vector<256xf32> to vector<256x1xf32>
      %eq3A_152 = vector.broadcast %broadcast_in_dim3A_151 : vector<256x1xf32> to vector<256x528xf32>
      %eq3A_153 = arith.cmpf oeq, %select_n3A_148, %eq3A_152 : vector<256x528xf32>
      %jit3A_154 = arith.constant 0x7F800000 : f32
      %broadcast_in_dim3A_155 = vector.broadcast %jit3A_154 : f32 to vector<256x528xf32>
      %select_n3A_156 = arith.select %eq3A_153, %broadcast_in_dim3A_155, %select_n3A_140 : vector<256x528xi1>, vector<256x528xf32>
      %reduce_min3A_157 = arith.constant dense<0x7F800000> : vector<256xf32>
      %reduce_min3A_158 = vector.multi_reduction <minimumf>, %select_n3A_156, %reduce_min3A_157 [1] : vector<256x528xf32> to vector<256xf32>
      %broadcast_in_dim3A_159 = vector.shape_cast %reduce_min3A_158 : vector<256xf32> to vector<256x1xf32>
      %eq3A_160 = vector.broadcast %broadcast_in_dim3A_159 : vector<256x1xf32> to vector<256x528xf32>
      %eq3A_161 = arith.cmpf oeq, %select_n3A_156, %eq3A_160 : vector<256x528xf32>
      %jit3A_162 = arith.constant 8.192000e+03 : f32
      %broadcast_in_dim3A_163 = vector.broadcast %jit3A_162 : f32 to vector<256x528xf32>
      %select_n3A_164 = arith.select %eq3A_161, %concatenate3A_125, %broadcast_in_dim3A_163 : vector<256x528xi1>, vector<256x528xf32>
      %reduce_min3A_165 = arith.constant dense<0x7F800000> : vector<256xf32>
      %reduce_min3A_166 = vector.multi_reduction <minimumf>, %select_n3A_164, %reduce_min3A_165 [1] : vector<256x528xf32> to vector<256xf32>
      %broadcast_in_dim3A_167 = vector.shape_cast %reduce_min3A_166 : vector<256xf32> to vector<256x1xf32>
      %eq3A_168 = vector.broadcast %broadcast_in_dim3A_167 : vector<256x1xf32> to vector<256x528xf32>
      %eq3A_169 = arith.cmpf oeq, %select_n3A_164, %eq3A_168 : vector<256x528xf32>
      %jit3A_170 = arith.constant 0x7F800000 : f32
      %broadcast_in_dim3A_171 = vector.broadcast %jit3A_170 : f32 to vector<256x528xf32>
      %select_n3A_172 = arith.select %eq3A_169, %broadcast_in_dim3A_171, %select_n3A_156 : vector<256x528xi1>, vector<256x528xf32>
      %reduce_min3A_173 = arith.constant dense<0x7F800000> : vector<256xf32>
      %reduce_min3A_174 = vector.multi_reduction <minimumf>, %select_n3A_172, %reduce_min3A_173 [1] : vector<256x528xf32> to vector<256xf32>
      %broadcast_in_dim3A_175 = vector.shape_cast %reduce_min3A_174 : vector<256xf32> to vector<256x1xf32>
      %eq3A_176 = vector.broadcast %broadcast_in_dim3A_175 : vector<256x1xf32> to vector<256x528xf32>
      %eq3A_177 = arith.cmpf oeq, %select_n3A_172, %eq3A_176 : vector<256x528xf32>
      %jit3A_178 = arith.constant 8.192000e+03 : f32
      %broadcast_in_dim3A_179 = vector.broadcast %jit3A_178 : f32 to vector<256x528xf32>
      %select_n3A_180 = arith.select %eq3A_177, %concatenate3A_125, %broadcast_in_dim3A_179 : vector<256x528xi1>, vector<256x528xf32>
      %reduce_min3A_181 = arith.constant dense<0x7F800000> : vector<256xf32>
      %reduce_min3A_182 = vector.multi_reduction <minimumf>, %select_n3A_180, %reduce_min3A_181 [1] : vector<256x528xf32> to vector<256xf32>
      %broadcast_in_dim3A_183 = vector.shape_cast %reduce_min3A_182 : vector<256xf32> to vector<256x1xf32>
      %eq3A_184 = vector.broadcast %broadcast_in_dim3A_183 : vector<256x1xf32> to vector<256x528xf32>
      %eq3A_185 = arith.cmpf oeq, %select_n3A_180, %eq3A_184 : vector<256x528xf32>
      %jit3A_186 = arith.constant 0x7F800000 : f32
      %broadcast_in_dim3A_187 = vector.broadcast %jit3A_186 : f32 to vector<256x528xf32>
      %select_n3A_188 = arith.select %eq3A_185, %broadcast_in_dim3A_187, %select_n3A_172 : vector<256x528xi1>, vector<256x528xf32>
      %reduce_min3A_189 = arith.constant dense<0x7F800000> : vector<256xf32>
      %reduce_min3A_190 = vector.multi_reduction <minimumf>, %select_n3A_188, %reduce_min3A_189 [1] : vector<256x528xf32> to vector<256xf32>
      %broadcast_in_dim3A_191 = vector.shape_cast %reduce_min3A_190 : vector<256xf32> to vector<256x1xf32>
      %eq3A_192 = vector.broadcast %broadcast_in_dim3A_191 : vector<256x1xf32> to vector<256x528xf32>
      %eq3A_193 = arith.cmpf oeq, %select_n3A_188, %eq3A_192 : vector<256x528xf32>
      %jit3A_194 = arith.constant 8.192000e+03 : f32
      %broadcast_in_dim3A_195 = vector.broadcast %jit3A_194 : f32 to vector<256x528xf32>
      %select_n3A_196 = arith.select %eq3A_193, %concatenate3A_125, %broadcast_in_dim3A_195 : vector<256x528xi1>, vector<256x528xf32>
      %reduce_min3A_197 = arith.constant dense<0x7F800000> : vector<256xf32>
      %reduce_min3A_198 = vector.multi_reduction <minimumf>, %select_n3A_196, %reduce_min3A_197 [1] : vector<256x528xf32> to vector<256xf32>
      %broadcast_in_dim3A_199 = vector.shape_cast %reduce_min3A_198 : vector<256xf32> to vector<256x1xf32>
      %eq3A_200 = vector.broadcast %broadcast_in_dim3A_199 : vector<256x1xf32> to vector<256x528xf32>
      %eq3A_201 = arith.cmpf oeq, %select_n3A_196, %eq3A_200 : vector<256x528xf32>
      %jit3A_202 = arith.constant 0x7F800000 : f32
      %broadcast_in_dim3A_203 = vector.broadcast %jit3A_202 : f32 to vector<256x528xf32>
      %select_n3A_204 = arith.select %eq3A_201, %broadcast_in_dim3A_203, %select_n3A_188 : vector<256x528xi1>, vector<256x528xf32>
      %reduce_min3A_205 = arith.constant dense<0x7F800000> : vector<256xf32>
      %reduce_min3A_206 = vector.multi_reduction <minimumf>, %select_n3A_204, %reduce_min3A_205 [1] : vector<256x528xf32> to vector<256xf32>
      %broadcast_in_dim3A_207 = vector.shape_cast %reduce_min3A_206 : vector<256xf32> to vector<256x1xf32>
      %eq3A_208 = vector.broadcast %broadcast_in_dim3A_207 : vector<256x1xf32> to vector<256x528xf32>
      %eq3A_209 = arith.cmpf oeq, %select_n3A_204, %eq3A_208 : vector<256x528xf32>
      %jit3A_210 = arith.constant 8.192000e+03 : f32
      %broadcast_in_dim3A_211 = vector.broadcast %jit3A_210 : f32 to vector<256x528xf32>
      %select_n3A_212 = arith.select %eq3A_209, %concatenate3A_125, %broadcast_in_dim3A_211 : vector<256x528xi1>, vector<256x528xf32>
      %reduce_min3A_213 = arith.constant dense<0x7F800000> : vector<256xf32>
      %reduce_min3A_214 = vector.multi_reduction <minimumf>, %select_n3A_212, %reduce_min3A_213 [1] : vector<256x528xf32> to vector<256xf32>
      %broadcast_in_dim3A_215 = vector.shape_cast %reduce_min3A_214 : vector<256xf32> to vector<256x1xf32>
      %eq3A_216 = vector.broadcast %broadcast_in_dim3A_215 : vector<256x1xf32> to vector<256x528xf32>
      %eq3A_217 = arith.cmpf oeq, %select_n3A_212, %eq3A_216 : vector<256x528xf32>
      %jit3A_218 = arith.constant 0x7F800000 : f32
      %broadcast_in_dim3A_219 = vector.broadcast %jit3A_218 : f32 to vector<256x528xf32>
      %select_n3A_220 = arith.select %eq3A_217, %broadcast_in_dim3A_219, %select_n3A_204 : vector<256x528xi1>, vector<256x528xf32>
      %reduce_min3A_221 = arith.constant dense<0x7F800000> : vector<256xf32>
      %reduce_min3A_222 = vector.multi_reduction <minimumf>, %select_n3A_220, %reduce_min3A_221 [1] : vector<256x528xf32> to vector<256xf32>
      %broadcast_in_dim3A_223 = vector.shape_cast %reduce_min3A_222 : vector<256xf32> to vector<256x1xf32>
      %eq3A_224 = vector.broadcast %broadcast_in_dim3A_223 : vector<256x1xf32> to vector<256x528xf32>
      %eq3A_225 = arith.cmpf oeq, %select_n3A_220, %eq3A_224 : vector<256x528xf32>
      %jit3A_226 = arith.constant 8.192000e+03 : f32
      %broadcast_in_dim3A_227 = vector.broadcast %jit3A_226 : f32 to vector<256x528xf32>
      %select_n3A_228 = arith.select %eq3A_225, %concatenate3A_125, %broadcast_in_dim3A_227 : vector<256x528xi1>, vector<256x528xf32>
      %reduce_min3A_229 = arith.constant dense<0x7F800000> : vector<256xf32>
      %reduce_min3A_230 = vector.multi_reduction <minimumf>, %select_n3A_228, %reduce_min3A_229 [1] : vector<256x528xf32> to vector<256xf32>
      %broadcast_in_dim3A_231 = vector.shape_cast %reduce_min3A_230 : vector<256xf32> to vector<256x1xf32>
      %eq3A_232 = vector.broadcast %broadcast_in_dim3A_231 : vector<256x1xf32> to vector<256x528xf32>
      %eq3A_233 = arith.cmpf oeq, %select_n3A_228, %eq3A_232 : vector<256x528xf32>
      %jit3A_234 = arith.constant 0x7F800000 : f32
      %broadcast_in_dim3A_235 = vector.broadcast %jit3A_234 : f32 to vector<256x528xf32>
      %select_n3A_236 = arith.select %eq3A_233, %broadcast_in_dim3A_235, %select_n3A_220 : vector<256x528xi1>, vector<256x528xf32>
      %reduce_min3A_237 = arith.constant dense<0x7F800000> : vector<256xf32>
      %reduce_min3A_238 = vector.multi_reduction <minimumf>, %select_n3A_236, %reduce_min3A_237 [1] : vector<256x528xf32> to vector<256xf32>
      %broadcast_in_dim3A_239 = vector.shape_cast %reduce_min3A_238 : vector<256xf32> to vector<256x1xf32>
      %eq3A_240 = vector.broadcast %broadcast_in_dim3A_239 : vector<256x1xf32> to vector<256x528xf32>
      %eq3A_241 = arith.cmpf oeq, %select_n3A_236, %eq3A_240 : vector<256x528xf32>
      %jit3A_242 = arith.constant 8.192000e+03 : f32
      %broadcast_in_dim3A_243 = vector.broadcast %jit3A_242 : f32 to vector<256x528xf32>
      %select_n3A_244 = arith.select %eq3A_241, %concatenate3A_125, %broadcast_in_dim3A_243 : vector<256x528xi1>, vector<256x528xf32>
      %reduce_min3A_245 = arith.constant dense<0x7F800000> : vector<256xf32>
      %reduce_min3A_246 = vector.multi_reduction <minimumf>, %select_n3A_244, %reduce_min3A_245 [1] : vector<256x528xf32> to vector<256xf32>
      %broadcast_in_dim3A_247 = vector.shape_cast %reduce_min3A_246 : vector<256xf32> to vector<256x1xf32>
      %eq3A_248 = vector.broadcast %broadcast_in_dim3A_247 : vector<256x1xf32> to vector<256x528xf32>
      %eq3A_249 = arith.cmpf oeq, %select_n3A_244, %eq3A_248 : vector<256x528xf32>
      %jit3A_250 = arith.constant 0x7F800000 : f32
      %broadcast_in_dim3A_251 = vector.broadcast %jit3A_250 : f32 to vector<256x528xf32>
      %select_n3A_252 = arith.select %eq3A_249, %broadcast_in_dim3A_251, %select_n3A_236 : vector<256x528xi1>, vector<256x528xf32>
      %reduce_min3A_253 = arith.constant dense<0x7F800000> : vector<256xf32>
      %reduce_min3A_254 = vector.multi_reduction <minimumf>, %select_n3A_252, %reduce_min3A_253 [1] : vector<256x528xf32> to vector<256xf32>
      %broadcast_in_dim3A_255 = vector.shape_cast %reduce_min3A_254 : vector<256xf32> to vector<256x1xf32>
      %eq3A_256 = vector.broadcast %broadcast_in_dim3A_255 : vector<256x1xf32> to vector<256x528xf32>
      %eq3A_257 = arith.cmpf oeq, %select_n3A_252, %eq3A_256 : vector<256x528xf32>
      %jit3A_258 = arith.constant 8.192000e+03 : f32
      %broadcast_in_dim3A_259 = vector.broadcast %jit3A_258 : f32 to vector<256x528xf32>
      %select_n3A_260 = arith.select %eq3A_257, %concatenate3A_125, %broadcast_in_dim3A_259 : vector<256x528xi1>, vector<256x528xf32>
      %reduce_min3A_261 = arith.constant dense<0x7F800000> : vector<256xf32>
      %reduce_min3A_262 = vector.multi_reduction <minimumf>, %select_n3A_260, %reduce_min3A_261 [1] : vector<256x528xf32> to vector<256xf32>
      %broadcast_in_dim3A_263 = vector.shape_cast %reduce_min3A_262 : vector<256xf32> to vector<256x1xf32>
      %eq3A_264 = vector.broadcast %broadcast_in_dim3A_263 : vector<256x1xf32> to vector<256x528xf32>
      %eq3A_265 = arith.cmpf oeq, %select_n3A_260, %eq3A_264 : vector<256x528xf32>
      %jit3A_266 = arith.constant 0x7F800000 : f32
      %broadcast_in_dim3A_267 = vector.broadcast %jit3A_266 : f32 to vector<256x528xf32>
      %select_n3A_268 = arith.select %eq3A_265, %broadcast_in_dim3A_267, %select_n3A_252 : vector<256x528xi1>, vector<256x528xf32>
      %reduce_min3A_269 = arith.constant dense<0x7F800000> : vector<256xf32>
      %reduce_min3A_270 = vector.multi_reduction <minimumf>, %select_n3A_268, %reduce_min3A_269 [1] : vector<256x528xf32> to vector<256xf32>
      %broadcast_in_dim3A_271 = vector.shape_cast %reduce_min3A_270 : vector<256xf32> to vector<256x1xf32>
      %eq3A_272 = vector.broadcast %broadcast_in_dim3A_271 : vector<256x1xf32> to vector<256x528xf32>
      %eq3A_273 = arith.cmpf oeq, %select_n3A_268, %eq3A_272 : vector<256x528xf32>
      %jit3A_274 = arith.constant 8.192000e+03 : f32
      %broadcast_in_dim3A_275 = vector.broadcast %jit3A_274 : f32 to vector<256x528xf32>
      %select_n3A_276 = arith.select %eq3A_273, %concatenate3A_125, %broadcast_in_dim3A_275 : vector<256x528xi1>, vector<256x528xf32>
      %reduce_min3A_277 = arith.constant dense<0x7F800000> : vector<256xf32>
      %reduce_min3A_278 = vector.multi_reduction <minimumf>, %select_n3A_276, %reduce_min3A_277 [1] : vector<256x528xf32> to vector<256xf32>
      %broadcast_in_dim3A_279 = vector.shape_cast %reduce_min3A_278 : vector<256xf32> to vector<256x1xf32>
      %eq3A_280 = vector.broadcast %broadcast_in_dim3A_279 : vector<256x1xf32> to vector<256x528xf32>
      %eq3A_281 = arith.cmpf oeq, %select_n3A_276, %eq3A_280 : vector<256x528xf32>
      %jit3A_282 = arith.constant 0x7F800000 : f32
      %broadcast_in_dim3A_283 = vector.broadcast %jit3A_282 : f32 to vector<256x528xf32>
      %select_n3A_284 = arith.select %eq3A_281, %broadcast_in_dim3A_283, %select_n3A_268 : vector<256x528xi1>, vector<256x528xf32>
      %reduce_min3A_285 = arith.constant dense<0x7F800000> : vector<256xf32>
      %reduce_min3A_286 = vector.multi_reduction <minimumf>, %select_n3A_284, %reduce_min3A_285 [1] : vector<256x528xf32> to vector<256xf32>
      %broadcast_in_dim3A_287 = vector.shape_cast %reduce_min3A_286 : vector<256xf32> to vector<256x1xf32>
      %eq3A_288 = vector.broadcast %broadcast_in_dim3A_287 : vector<256x1xf32> to vector<256x528xf32>
      %eq3A_289 = arith.cmpf oeq, %select_n3A_284, %eq3A_288 : vector<256x528xf32>
      %jit3A_290 = arith.constant 8.192000e+03 : f32
      %broadcast_in_dim3A_291 = vector.broadcast %jit3A_290 : f32 to vector<256x528xf32>
      %select_n3A_292 = arith.select %eq3A_289, %concatenate3A_125, %broadcast_in_dim3A_291 : vector<256x528xi1>, vector<256x528xf32>
      %reduce_min3A_293 = arith.constant dense<0x7F800000> : vector<256xf32>
      %reduce_min3A_294 = vector.multi_reduction <minimumf>, %select_n3A_292, %reduce_min3A_293 [1] : vector<256x528xf32> to vector<256xf32>
      %broadcast_in_dim3A_295 = vector.shape_cast %reduce_min3A_294 : vector<256xf32> to vector<256x1xf32>
      %eq3A_296 = vector.broadcast %broadcast_in_dim3A_295 : vector<256x1xf32> to vector<256x528xf32>
      %eq3A_297 = arith.cmpf oeq, %select_n3A_292, %eq3A_296 : vector<256x528xf32>
      %jit3A_298 = arith.constant 0x7F800000 : f32
      %broadcast_in_dim3A_299 = vector.broadcast %jit3A_298 : f32 to vector<256x528xf32>
      %select_n3A_300 = arith.select %eq3A_297, %broadcast_in_dim3A_299, %select_n3A_284 : vector<256x528xi1>, vector<256x528xf32>
      %reduce_min3A_301 = arith.constant dense<0x7F800000> : vector<256xf32>
      %reduce_min3A_302 = vector.multi_reduction <minimumf>, %select_n3A_300, %reduce_min3A_301 [1] : vector<256x528xf32> to vector<256xf32>
      %broadcast_in_dim3A_303 = vector.shape_cast %reduce_min3A_302 : vector<256xf32> to vector<256x1xf32>
      %eq3A_304 = vector.broadcast %broadcast_in_dim3A_303 : vector<256x1xf32> to vector<256x528xf32>
      %eq3A_305 = arith.cmpf oeq, %select_n3A_300, %eq3A_304 : vector<256x528xf32>
      %jit3A_306 = arith.constant 8.192000e+03 : f32
      %broadcast_in_dim3A_307 = vector.broadcast %jit3A_306 : f32 to vector<256x528xf32>
      %select_n3A_308 = arith.select %eq3A_305, %concatenate3A_125, %broadcast_in_dim3A_307 : vector<256x528xi1>, vector<256x528xf32>
      %reduce_min3A_309 = arith.constant dense<0x7F800000> : vector<256xf32>
      %reduce_min3A_310 = vector.multi_reduction <minimumf>, %select_n3A_308, %reduce_min3A_309 [1] : vector<256x528xf32> to vector<256xf32>
      %broadcast_in_dim3A_311 = vector.shape_cast %reduce_min3A_310 : vector<256xf32> to vector<256x1xf32>
      %eq3A_312 = vector.broadcast %broadcast_in_dim3A_311 : vector<256x1xf32> to vector<256x528xf32>
      %eq3A_313 = arith.cmpf oeq, %select_n3A_308, %eq3A_312 : vector<256x528xf32>
      %jit3A_314 = arith.constant 0x7F800000 : f32
      %broadcast_in_dim3A_315 = vector.broadcast %jit3A_314 : f32 to vector<256x528xf32>
      %select_n3A_316 = arith.select %eq3A_313, %broadcast_in_dim3A_315, %select_n3A_300 : vector<256x528xi1>, vector<256x528xf32>
      %reduce_min3A_317 = arith.constant dense<0x7F800000> : vector<256xf32>
      %reduce_min3A_318 = vector.multi_reduction <minimumf>, %select_n3A_316, %reduce_min3A_317 [1] : vector<256x528xf32> to vector<256xf32>
      %broadcast_in_dim3A_319 = vector.shape_cast %reduce_min3A_318 : vector<256xf32> to vector<256x1xf32>
      %eq3A_320 = vector.broadcast %broadcast_in_dim3A_319 : vector<256x1xf32> to vector<256x528xf32>
      %eq3A_321 = arith.cmpf oeq, %select_n3A_316, %eq3A_320 : vector<256x528xf32>
      %jit3A_322 = arith.constant 8.192000e+03 : f32
      %broadcast_in_dim3A_323 = vector.broadcast %jit3A_322 : f32 to vector<256x528xf32>
      %select_n3A_324 = arith.select %eq3A_321, %concatenate3A_125, %broadcast_in_dim3A_323 : vector<256x528xi1>, vector<256x528xf32>
      %reduce_min3A_325 = arith.constant dense<0x7F800000> : vector<256xf32>
      %reduce_min3A_326 = vector.multi_reduction <minimumf>, %select_n3A_324, %reduce_min3A_325 [1] : vector<256x528xf32> to vector<256xf32>
      %broadcast_in_dim3A_327 = vector.shape_cast %reduce_min3A_326 : vector<256xf32> to vector<256x1xf32>
      %eq3A_328 = vector.broadcast %broadcast_in_dim3A_327 : vector<256x1xf32> to vector<256x528xf32>
      %eq3A_329 = arith.cmpf oeq, %select_n3A_324, %eq3A_328 : vector<256x528xf32>
      %jit3A_330 = arith.constant 0x7F800000 : f32
      %broadcast_in_dim3A_331 = vector.broadcast %jit3A_330 : f32 to vector<256x528xf32>
      %select_n3A_332 = arith.select %eq3A_329, %broadcast_in_dim3A_331, %select_n3A_316 : vector<256x528xi1>, vector<256x528xf32>
      %reduce_min3A_333 = arith.constant dense<0x7F800000> : vector<256xf32>
      %reduce_min3A_334 = vector.multi_reduction <minimumf>, %select_n3A_332, %reduce_min3A_333 [1] : vector<256x528xf32> to vector<256xf32>
      %broadcast_in_dim3A_335 = vector.shape_cast %reduce_min3A_334 : vector<256xf32> to vector<256x1xf32>
      %eq3A_336 = vector.broadcast %broadcast_in_dim3A_335 : vector<256x1xf32> to vector<256x528xf32>
      %eq3A_337 = arith.cmpf oeq, %select_n3A_332, %eq3A_336 : vector<256x528xf32>
      %jit3A_338 = arith.constant 8.192000e+03 : f32
      %broadcast_in_dim3A_339 = vector.broadcast %jit3A_338 : f32 to vector<256x528xf32>
      %select_n3A_340 = arith.select %eq3A_337, %concatenate3A_125, %broadcast_in_dim3A_339 : vector<256x528xi1>, vector<256x528xf32>
      %reduce_min3A_341 = arith.constant dense<0x7F800000> : vector<256xf32>
      %reduce_min3A_342 = vector.multi_reduction <minimumf>, %select_n3A_340, %reduce_min3A_341 [1] : vector<256x528xf32> to vector<256xf32>
      %broadcast_in_dim3A_343 = vector.shape_cast %reduce_min3A_342 : vector<256xf32> to vector<256x1xf32>
      %eq3A_344 = vector.broadcast %broadcast_in_dim3A_343 : vector<256x1xf32> to vector<256x528xf32>
      %eq3A_345 = arith.cmpf oeq, %select_n3A_340, %eq3A_344 : vector<256x528xf32>
      %jit3A_346 = arith.constant 0x7F800000 : f32
      %broadcast_in_dim3A_347 = vector.broadcast %jit3A_346 : f32 to vector<256x528xf32>
      %select_n3A_348 = arith.select %eq3A_345, %broadcast_in_dim3A_347, %select_n3A_332 : vector<256x528xi1>, vector<256x528xf32>
      %reduce_min3A_349 = arith.constant dense<0x7F800000> : vector<256xf32>
      %reduce_min3A_350 = vector.multi_reduction <minimumf>, %select_n3A_348, %reduce_min3A_349 [1] : vector<256x528xf32> to vector<256xf32>
      %broadcast_in_dim3A_351 = vector.shape_cast %reduce_min3A_350 : vector<256xf32> to vector<256x1xf32>
      %eq3A_352 = vector.broadcast %broadcast_in_dim3A_351 : vector<256x1xf32> to vector<256x528xf32>
      %eq3A_353 = arith.cmpf oeq, %select_n3A_348, %eq3A_352 : vector<256x528xf32>
      %jit3A_354 = arith.constant 8.192000e+03 : f32
      %broadcast_in_dim3A_355 = vector.broadcast %jit3A_354 : f32 to vector<256x528xf32>
      %select_n3A_356 = arith.select %eq3A_353, %concatenate3A_125, %broadcast_in_dim3A_355 : vector<256x528xi1>, vector<256x528xf32>
      %reduce_min3A_357 = arith.constant dense<0x7F800000> : vector<256xf32>
      %reduce_min3A_358 = vector.multi_reduction <minimumf>, %select_n3A_356, %reduce_min3A_357 [1] : vector<256x528xf32> to vector<256xf32>
      %broadcast_in_dim3A_359 = vector.shape_cast %reduce_min3A_358 : vector<256xf32> to vector<256x1xf32>
      %eq3A_360 = vector.broadcast %broadcast_in_dim3A_359 : vector<256x1xf32> to vector<256x528xf32>
      %eq3A_361 = arith.cmpf oeq, %select_n3A_356, %eq3A_360 : vector<256x528xf32>
      %jit3A_362 = arith.constant 0x7F800000 : f32
      %broadcast_in_dim3A_363 = vector.broadcast %jit3A_362 : f32 to vector<256x528xf32>
      %select_n3A_364 = arith.select %eq3A_361, %broadcast_in_dim3A_363, %select_n3A_348 : vector<256x528xi1>, vector<256x528xf32>
      %reduce_min3A_365 = arith.constant dense<0x7F800000> : vector<256xf32>
      %reduce_min3A_366 = vector.multi_reduction <minimumf>, %select_n3A_364, %reduce_min3A_365 [1] : vector<256x528xf32> to vector<256xf32>
      %broadcast_in_dim3A_367 = vector.shape_cast %reduce_min3A_366 : vector<256xf32> to vector<256x1xf32>
      %eq3A_368 = vector.broadcast %broadcast_in_dim3A_367 : vector<256x1xf32> to vector<256x528xf32>
      %eq3A_369 = arith.cmpf oeq, %select_n3A_364, %eq3A_368 : vector<256x528xf32>
      %jit3A_370 = arith.constant 8.192000e+03 : f32
      %broadcast_in_dim3A_371 = vector.broadcast %jit3A_370 : f32 to vector<256x528xf32>
      %select_n3A_372 = arith.select %eq3A_369, %concatenate3A_125, %broadcast_in_dim3A_371 : vector<256x528xi1>, vector<256x528xf32>
      %reduce_min3A_373 = arith.constant dense<0x7F800000> : vector<256xf32>
      %reduce_min3A_374 = vector.multi_reduction <minimumf>, %select_n3A_372, %reduce_min3A_373 [1] : vector<256x528xf32> to vector<256xf32>
      %broadcast_in_dim3A_375 = vector.shape_cast %reduce_min3A_374 : vector<256xf32> to vector<256x1xf32>
      %eq3A_376 = vector.broadcast %broadcast_in_dim3A_375 : vector<256x1xf32> to vector<256x528xf32>
      %eq3A_377 = arith.cmpf oeq, %select_n3A_372, %eq3A_376 : vector<256x528xf32>
      %jit3A_378 = arith.constant 0x7F800000 : f32
      %broadcast_in_dim3A_379 = vector.broadcast %jit3A_378 : f32 to vector<256x528xf32>
      %select_n3A_380 = arith.select %eq3A_377, %broadcast_in_dim3A_379, %select_n3A_364 : vector<256x528xi1>, vector<256x528xf32>
      %concatenate3A_381 = tpu.concatenate %broadcast_in_dim3A_127, %broadcast_in_dim3A_143, %broadcast_in_dim3A_159, %broadcast_in_dim3A_175, %broadcast_in_dim3A_191, %broadcast_in_dim3A_207, %broadcast_in_dim3A_223, %broadcast_in_dim3A_239, %broadcast_in_dim3A_255, %broadcast_in_dim3A_271, %broadcast_in_dim3A_287, %broadcast_in_dim3A_303, %broadcast_in_dim3A_319, %broadcast_in_dim3A_335, %broadcast_in_dim3A_351, %broadcast_in_dim3A_367 in 1 : vector<256x1xf32>, vector<256x1xf32>, vector<256x1xf32>, vector<256x1xf32>, vector<256x1xf32>, vector<256x1xf32>, vector<256x1xf32>, vector<256x1xf32>, vector<256x1xf32>, vector<256x1xf32>, vector<256x1xf32>, vector<256x1xf32>, vector<256x1xf32>, vector<256x1xf32>, vector<256x1xf32>, vector<256x1xf32> -> vector<256x16xf32>
      %concatenate3A_382 = tpu.concatenate %broadcast_in_dim3A_135, %broadcast_in_dim3A_151, %broadcast_in_dim3A_167, %broadcast_in_dim3A_183, %broadcast_in_dim3A_199, %broadcast_in_dim3A_215, %broadcast_in_dim3A_231, %broadcast_in_dim3A_247, %broadcast_in_dim3A_263, %broadcast_in_dim3A_279, %broadcast_in_dim3A_295, %broadcast_in_dim3A_311, %broadcast_in_dim3A_327, %broadcast_in_dim3A_343, %broadcast_in_dim3A_359, %broadcast_in_dim3A_375 in 1 : vector<256x1xf32>, vector<256x1xf32>, vector<256x1xf32>, vector<256x1xf32>, vector<256x1xf32>, vector<256x1xf32>, vector<256x1xf32>, vector<256x1xf32>, vector<256x1xf32>, vector<256x1xf32>, vector<256x1xf32>, vector<256x1xf32>, vector<256x1xf32>, vector<256x1xf32>, vector<256x1xf32>, vector<256x1xf32> -> vector<256x16xf32>
      scf.yield %concatenate3A_381, %concatenate3A_382 : vector<256x16xf32>, vector<256x16xf32>
    }
    %while3A_81 = arith.constant 1 : i32
    %while3A_82:2 = scf.for %while3A_90 = %while3A_78 to %while3A_74 step %while3A_81 iter_args(%while3A_91 = %while3A_80#0, %while3A_92 = %while3A_80#1) -> (vector<256x16xf32>, vector<256x16xf32>)  : i32 {
      %mul3A_93 = arith.constant 512 : i32
      %mul3A_94 = arith.muli %while3A_90, %mul3A_93 : i32
      %get3A_95 = arith.constant 0 : index
      %get3A_96 = arith.index_cast %mul3A_94 : i32 to index
      %get3A_97 = vector.load %arg5[%get3A_95, %get3A_96] : memref<16x8192xf32, #tpu.memory_space<vmem>>, vector<16x512xf32>
      %dot_general3A_98 = arith.constant dense<0.000000e+00> : vector<256x512xf32>
      %dot_general3A_99 = tpu.matmul %get3A_50, %get3A_97, %dot_general3A_98 {dimension_numbers = #tpu.dot_dimension_numbers<[1], [0], [0], [1], [0, 0, 1, 1], [], []>, transpose_lhs_hint = false} : vector<256x16xf32>, vector<16x512xf32>, vector<256x512xf32> -> vector<256x512xf32>
      %mul3A_100 = arith.mulf %get3A_97, %get3A_97 : vector<16x512xf32>
      %reduce_sum3A_101 = arith.constant dense<0.000000e+00> : vector<512xf32>
      %reduce_sum3A_102 = vector.multi_reduction <add>, %mul3A_100, %reduce_sum3A_101 [0] : vector<16x512xf32> to vector<512xf32>
      %broadcast_in_dim3A_103 = vector.shape_cast %reduce_sum3A_102 : vector<512xf32> to vector<1x512xf32>
      %add3A_104 = vector.broadcast %broadcast_in_dim3A : vector<256x1xf32> to vector<256x512xf32>
      %add3A_105 = vector.broadcast %broadcast_in_dim3A_103 : vector<1x512xf32> to vector<256x512xf32>
      %add3A_106 = arith.addf %add3A_104, %add3A_105 : vector<256x512xf32>
      %mul3A_107 = arith.constant 2.000000e+00 : f32
      %mul3A_108 = vector.broadcast %mul3A_107 : f32 to vector<256x512xf32>
      %mul3A_109 = arith.mulf %mul3A_108, %dot_general3A_99 : vector<256x512xf32>
      %sub3A_110 = arith.subf %add3A_106, %mul3A_109 : vector<256x512xf32>
      %mul3A_111 = arith.constant 512 : i32
      %mul3A_112 = arith.muli %while3A_90, %mul3A_111 : i32
      %get3A_113 = arith.constant 0 : index
      %get3A_114 = arith.index_cast %mul3A_112 : i32 to index
      %get3A_115 = vector.load %arg7[%get3A_113, %get3A_114] : memref<1x8192xf32, #tpu.memory_space<vmem>>, vector<1x512xf32>
      %eq3A = vector.broadcast %get3A_62 : vector<256x1xf32> to vector<256x512xf32>
      %eq3A_116 = vector.broadcast %get3A_115 : vector<1x512xf32> to vector<256x512xf32>
      %eq3A_117 = arith.cmpf oeq, %eq3A, %eq3A_116 : vector<256x512xf32>
      %jit3A_118 = arith.constant 0x7F800000 : f32
      %broadcast_in_dim3A_119 = vector.broadcast %jit3A_118 : f32 to vector<256x512xf32>
      %select_n3A = arith.select %eq3A_117, %sub3A_110, %broadcast_in_dim3A_119 : vector<256x512xi1>, vector<256x512xf32>
      %mul3A_120 = arith.constant 512 : i32
      %mul3A_121 = arith.muli %while3A_90, %mul3A_120 : i32
      %add3A_122 = vector.broadcast %mul3A_121 : i32 to vector<256x512xi32>
      %add3A_123 = arith.addi %add3A_122, %iota3A_73 : vector<256x512xi32>
      %convert_element_type3A_124 = arith.sitofp %add3A_123 : vector<256x512xi32> to vector<256x512xf32>
      %concatenate3A = tpu.concatenate %while3A_91, %select_n3A in 1 : vector<256x16xf32>, vector<256x512xf32> -> vector<256x528xf32>
      %concatenate3A_125 = tpu.concatenate %while3A_92, %convert_element_type3A_124 in 1 : vector<256x16xf32>, vector<256x512xf32> -> vector<256x528xf32>
      %reduce_min3A = arith.constant dense<0x7F800000> : vector<256xf32>
      %reduce_min3A_126 = vector.multi_reduction <minimumf>, %concatenate3A, %reduce_min3A [1] : vector<256x528xf32> to vector<256xf32>
      %broadcast_in_dim3A_127 = vector.shape_cast %reduce_min3A_126 : vector<256xf32> to vector<256x1xf32>
      %eq3A_128 = vector.broadcast %broadcast_in_dim3A_127 : vector<256x1xf32> to vector<256x528xf32>
      %eq3A_129 = arith.cmpf oeq, %concatenate3A, %eq3A_128 : vector<256x528xf32>
      %jit3A_130 = arith.constant 8.192000e+03 : f32
      %broadcast_in_dim3A_131 = vector.broadcast %jit3A_130 : f32 to vector<256x528xf32>
      %select_n3A_132 = arith.select %eq3A_129, %concatenate3A_125, %broadcast_in_dim3A_131 : vector<256x528xi1>, vector<256x528xf32>
      %reduce_min3A_133 = arith.constant dense<0x7F800000> : vector<256xf32>
      %reduce_min3A_134 = vector.multi_reduction <minimumf>, %select_n3A_132, %reduce_min3A_133 [1] : vector<256x528xf32> to vector<256xf32>
      %broadcast_in_dim3A_135 = vector.shape_cast %reduce_min3A_134 : vector<256xf32> to vector<256x1xf32>
      %eq3A_136 = vector.broadcast %broadcast_in_dim3A_135 : vector<256x1xf32> to vector<256x528xf32>
      %eq3A_137 = arith.cmpf oeq, %select_n3A_132, %eq3A_136 : vector<256x528xf32>
      %jit3A_138 = arith.constant 0x7F800000 : f32
      %broadcast_in_dim3A_139 = vector.broadcast %jit3A_138 : f32 to vector<256x528xf32>
      %select_n3A_140 = arith.select %eq3A_137, %broadcast_in_dim3A_139, %concatenate3A : vector<256x528xi1>, vector<256x528xf32>
      %reduce_min3A_141 = arith.constant dense<0x7F800000> : vector<256xf32>
      %reduce_min3A_142 = vector.multi_reduction <minimumf>, %select_n3A_140, %reduce_min3A_141 [1] : vector<256x528xf32> to vector<256xf32>
      %broadcast_in_dim3A_143 = vector.shape_cast %reduce_min3A_142 : vector<256xf32> to vector<256x1xf32>
      %eq3A_144 = vector.broadcast %broadcast_in_dim3A_143 : vector<256x1xf32> to vector<256x528xf32>
      %eq3A_145 = arith.cmpf oeq, %select_n3A_140, %eq3A_144 : vector<256x528xf32>
      %jit3A_146 = arith.constant 8.192000e+03 : f32
      %broadcast_in_dim3A_147 = vector.broadcast %jit3A_146 : f32 to vector<256x528xf32>
      %select_n3A_148 = arith.select %eq3A_145, %concatenate3A_125, %broadcast_in_dim3A_147 : vector<256x528xi1>, vector<256x528xf32>
      %reduce_min3A_149 = arith.constant dense<0x7F800000> : vector<256xf32>
      %reduce_min3A_150 = vector.multi_reduction <minimumf>, %select_n3A_148, %reduce_min3A_149 [1] : vector<256x528xf32> to vector<256xf32>
      %broadcast_in_dim3A_151 = vector.shape_cast %reduce_min3A_150 : vector<256xf32> to vector<256x1xf32>
      %eq3A_152 = vector.broadcast %broadcast_in_dim3A_151 : vector<256x1xf32> to vector<256x528xf32>
      %eq3A_153 = arith.cmpf oeq, %select_n3A_148, %eq3A_152 : vector<256x528xf32>
      %jit3A_154 = arith.constant 0x7F800000 : f32
      %broadcast_in_dim3A_155 = vector.broadcast %jit3A_154 : f32 to vector<256x528xf32>
      %select_n3A_156 = arith.select %eq3A_153, %broadcast_in_dim3A_155, %select_n3A_140 : vector<256x528xi1>, vector<256x528xf32>
      %reduce_min3A_157 = arith.constant dense<0x7F800000> : vector<256xf32>
      %reduce_min3A_158 = vector.multi_reduction <minimumf>, %select_n3A_156, %reduce_min3A_157 [1] : vector<256x528xf32> to vector<256xf32>
      %broadcast_in_dim3A_159 = vector.shape_cast %reduce_min3A_158 : vector<256xf32> to vector<256x1xf32>
      %eq3A_160 = vector.broadcast %broadcast_in_dim3A_159 : vector<256x1xf32> to vector<256x528xf32>
      %eq3A_161 = arith.cmpf oeq, %select_n3A_156, %eq3A_160 : vector<256x528xf32>
      %jit3A_162 = arith.constant 8.192000e+03 : f32
      %broadcast_in_dim3A_163 = vector.broadcast %jit3A_162 : f32 to vector<256x528xf32>
      %select_n3A_164 = arith.select %eq3A_161, %concatenate3A_125, %broadcast_in_dim3A_163 : vector<256x528xi1>, vector<256x528xf32>
      %reduce_min3A_165 = arith.constant dense<0x7F800000> : vector<256xf32>
      %reduce_min3A_166 = vector.multi_reduction <minimumf>, %select_n3A_164, %reduce_min3A_165 [1] : vector<256x528xf32> to vector<256xf32>
      %broadcast_in_dim3A_167 = vector.shape_cast %reduce_min3A_166 : vector<256xf32> to vector<256x1xf32>
      %eq3A_168 = vector.broadcast %broadcast_in_dim3A_167 : vector<256x1xf32> to vector<256x528xf32>
      %eq3A_169 = arith.cmpf oeq, %select_n3A_164, %eq3A_168 : vector<256x528xf32>
      %jit3A_170 = arith.constant 0x7F800000 : f32
      %broadcast_in_dim3A_171 = vector.broadcast %jit3A_170 : f32 to vector<256x528xf32>
      %select_n3A_172 = arith.select %eq3A_169, %broadcast_in_dim3A_171, %select_n3A_156 : vector<256x528xi1>, vector<256x528xf32>
      %reduce_min3A_173 = arith.constant dense<0x7F800000> : vector<256xf32>
      %reduce_min3A_174 = vector.multi_reduction <minimumf>, %select_n3A_172, %reduce_min3A_173 [1] : vector<256x528xf32> to vector<256xf32>
      %broadcast_in_dim3A_175 = vector.shape_cast %reduce_min3A_174 : vector<256xf32> to vector<256x1xf32>
      %eq3A_176 = vector.broadcast %broadcast_in_dim3A_175 : vector<256x1xf32> to vector<256x528xf32>
      %eq3A_177 = arith.cmpf oeq, %select_n3A_172, %eq3A_176 : vector<256x528xf32>
      %jit3A_178 = arith.constant 8.192000e+03 : f32
      %broadcast_in_dim3A_179 = vector.broadcast %jit3A_178 : f32 to vector<256x528xf32>
      %select_n3A_180 = arith.select %eq3A_177, %concatenate3A_125, %broadcast_in_dim3A_179 : vector<256x528xi1>, vector<256x528xf32>
      %reduce_min3A_181 = arith.constant dense<0x7F800000> : vector<256xf32>
      %reduce_min3A_182 = vector.multi_reduction <minimumf>, %select_n3A_180, %reduce_min3A_181 [1] : vector<256x528xf32> to vector<256xf32>
      %broadcast_in_dim3A_183 = vector.shape_cast %reduce_min3A_182 : vector<256xf32> to vector<256x1xf32>
      %eq3A_184 = vector.broadcast %broadcast_in_dim3A_183 : vector<256x1xf32> to vector<256x528xf32>
      %eq3A_185 = arith.cmpf oeq, %select_n3A_180, %eq3A_184 : vector<256x528xf32>
      %jit3A_186 = arith.constant 0x7F800000 : f32
      %broadcast_in_dim3A_187 = vector.broadcast %jit3A_186 : f32 to vector<256x528xf32>
      %select_n3A_188 = arith.select %eq3A_185, %broadcast_in_dim3A_187, %select_n3A_172 : vector<256x528xi1>, vector<256x528xf32>
      %reduce_min3A_189 = arith.constant dense<0x7F800000> : vector<256xf32>
      %reduce_min3A_190 = vector.multi_reduction <minimumf>, %select_n3A_188, %reduce_min3A_189 [1] : vector<256x528xf32> to vector<256xf32>
      %broadcast_in_dim3A_191 = vector.shape_cast %reduce_min3A_190 : vector<256xf32> to vector<256x1xf32>
      %eq3A_192 = vector.broadcast %broadcast_in_dim3A_191 : vector<256x1xf32> to vector<256x528xf32>
      %eq3A_193 = arith.cmpf oeq, %select_n3A_188, %eq3A_192 : vector<256x528xf32>
      %jit3A_194 = arith.constant 8.192000e+03 : f32
      %broadcast_in_dim3A_195 = vector.broadcast %jit3A_194 : f32 to vector<256x528xf32>
      %select_n3A_196 = arith.select %eq3A_193, %concatenate3A_125, %broadcast_in_dim3A_195 : vector<256x528xi1>, vector<256x528xf32>
      %reduce_min3A_197 = arith.constant dense<0x7F800000> : vector<256xf32>
      %reduce_min3A_198 = vector.multi_reduction <minimumf>, %select_n3A_196, %reduce_min3A_197 [1] : vector<256x528xf32> to vector<256xf32>
      %broadcast_in_dim3A_199 = vector.shape_cast %reduce_min3A_198 : vector<256xf32> to vector<256x1xf32>
      %eq3A_200 = vector.broadcast %broadcast_in_dim3A_199 : vector<256x1xf32> to vector<256x528xf32>
      %eq3A_201 = arith.cmpf oeq, %select_n3A_196, %eq3A_200 : vector<256x528xf32>
      %jit3A_202 = arith.constant 0x7F800000 : f32
      %broadcast_in_dim3A_203 = vector.broadcast %jit3A_202 : f32 to vector<256x528xf32>
      %select_n3A_204 = arith.select %eq3A_201, %broadcast_in_dim3A_203, %select_n3A_188 : vector<256x528xi1>, vector<256x528xf32>
      %reduce_min3A_205 = arith.constant dense<0x7F800000> : vector<256xf32>
      %reduce_min3A_206 = vector.multi_reduction <minimumf>, %select_n3A_204, %reduce_min3A_205 [1] : vector<256x528xf32> to vector<256xf32>
      %broadcast_in_dim3A_207 = vector.shape_cast %reduce_min3A_206 : vector<256xf32> to vector<256x1xf32>
      %eq3A_208 = vector.broadcast %broadcast_in_dim3A_207 : vector<256x1xf32> to vector<256x528xf32>
      %eq3A_209 = arith.cmpf oeq, %select_n3A_204, %eq3A_208 : vector<256x528xf32>
      %jit3A_210 = arith.constant 8.192000e+03 : f32
      %broadcast_in_dim3A_211 = vector.broadcast %jit3A_210 : f32 to vector<256x528xf32>
      %select_n3A_212 = arith.select %eq3A_209, %concatenate3A_125, %broadcast_in_dim3A_211 : vector<256x528xi1>, vector<256x528xf32>
      %reduce_min3A_213 = arith.constant dense<0x7F800000> : vector<256xf32>
      %reduce_min3A_214 = vector.multi_reduction <minimumf>, %select_n3A_212, %reduce_min3A_213 [1] : vector<256x528xf32> to vector<256xf32>
      %broadcast_in_dim3A_215 = vector.shape_cast %reduce_min3A_214 : vector<256xf32> to vector<256x1xf32>
      %eq3A_216 = vector.broadcast %broadcast_in_dim3A_215 : vector<256x1xf32> to vector<256x528xf32>
      %eq3A_217 = arith.cmpf oeq, %select_n3A_212, %eq3A_216 : vector<256x528xf32>
      %jit3A_218 = arith.constant 0x7F800000 : f32
      %broadcast_in_dim3A_219 = vector.broadcast %jit3A_218 : f32 to vector<256x528xf32>
      %select_n3A_220 = arith.select %eq3A_217, %broadcast_in_dim3A_219, %select_n3A_204 : vector<256x528xi1>, vector<256x528xf32>
      %reduce_min3A_221 = arith.constant dense<0x7F800000> : vector<256xf32>
      %reduce_min3A_222 = vector.multi_reduction <minimumf>, %select_n3A_220, %reduce_min3A_221 [1] : vector<256x528xf32> to vector<256xf32>
      %broadcast_in_dim3A_223 = vector.shape_cast %reduce_min3A_222 : vector<256xf32> to vector<256x1xf32>
      %eq3A_224 = vector.broadcast %broadcast_in_dim3A_223 : vector<256x1xf32> to vector<256x528xf32>
      %eq3A_225 = arith.cmpf oeq, %select_n3A_220, %eq3A_224 : vector<256x528xf32>
      %jit3A_226 = arith.constant 8.192000e+03 : f32
      %broadcast_in_dim3A_227 = vector.broadcast %jit3A_226 : f32 to vector<256x528xf32>
      %select_n3A_228 = arith.select %eq3A_225, %concatenate3A_125, %broadcast_in_dim3A_227 : vector<256x528xi1>, vector<256x528xf32>
      %reduce_min3A_229 = arith.constant dense<0x7F800000> : vector<256xf32>
      %reduce_min3A_230 = vector.multi_reduction <minimumf>, %select_n3A_228, %reduce_min3A_229 [1] : vector<256x528xf32> to vector<256xf32>
      %broadcast_in_dim3A_231 = vector.shape_cast %reduce_min3A_230 : vector<256xf32> to vector<256x1xf32>
      %eq3A_232 = vector.broadcast %broadcast_in_dim3A_231 : vector<256x1xf32> to vector<256x528xf32>
      %eq3A_233 = arith.cmpf oeq, %select_n3A_228, %eq3A_232 : vector<256x528xf32>
      %jit3A_234 = arith.constant 0x7F800000 : f32
      %broadcast_in_dim3A_235 = vector.broadcast %jit3A_234 : f32 to vector<256x528xf32>
      %select_n3A_236 = arith.select %eq3A_233, %broadcast_in_dim3A_235, %select_n3A_220 : vector<256x528xi1>, vector<256x528xf32>
      %reduce_min3A_237 = arith.constant dense<0x7F800000> : vector<256xf32>
      %reduce_min3A_238 = vector.multi_reduction <minimumf>, %select_n3A_236, %reduce_min3A_237 [1] : vector<256x528xf32> to vector<256xf32>
      %broadcast_in_dim3A_239 = vector.shape_cast %reduce_min3A_238 : vector<256xf32> to vector<256x1xf32>
      %eq3A_240 = vector.broadcast %broadcast_in_dim3A_239 : vector<256x1xf32> to vector<256x528xf32>
      %eq3A_241 = arith.cmpf oeq, %select_n3A_236, %eq3A_240 : vector<256x528xf32>
      %jit3A_242 = arith.constant 8.192000e+03 : f32
      %broadcast_in_dim3A_243 = vector.broadcast %jit3A_242 : f32 to vector<256x528xf32>
      %select_n3A_244 = arith.select %eq3A_241, %concatenate3A_125, %broadcast_in_dim3A_243 : vector<256x528xi1>, vector<256x528xf32>
      %reduce_min3A_245 = arith.constant dense<0x7F800000> : vector<256xf32>
      %reduce_min3A_246 = vector.multi_reduction <minimumf>, %select_n3A_244, %reduce_min3A_245 [1] : vector<256x528xf32> to vector<256xf32>
      %broadcast_in_dim3A_247 = vector.shape_cast %reduce_min3A_246 : vector<256xf32> to vector<256x1xf32>
      %eq3A_248 = vector.broadcast %broadcast_in_dim3A_247 : vector<256x1xf32> to vector<256x528xf32>
      %eq3A_249 = arith.cmpf oeq, %select_n3A_244, %eq3A_248 : vector<256x528xf32>
      %jit3A_250 = arith.constant 0x7F800000 : f32
      %broadcast_in_dim3A_251 = vector.broadcast %jit3A_250 : f32 to vector<256x528xf32>
      %select_n3A_252 = arith.select %eq3A_249, %broadcast_in_dim3A_251, %select_n3A_236 : vector<256x528xi1>, vector<256x528xf32>
      %reduce_min3A_253 = arith.constant dense<0x7F800000> : vector<256xf32>
      %reduce_min3A_254 = vector.multi_reduction <minimumf>, %select_n3A_252, %reduce_min3A_253 [1] : vector<256x528xf32> to vector<256xf32>
      %broadcast_in_dim3A_255 = vector.shape_cast %reduce_min3A_254 : vector<256xf32> to vector<256x1xf32>
      %eq3A_256 = vector.broadcast %broadcast_in_dim3A_255 : vector<256x1xf32> to vector<256x528xf32>
      %eq3A_257 = arith.cmpf oeq, %select_n3A_252, %eq3A_256 : vector<256x528xf32>
      %jit3A_258 = arith.constant 8.192000e+03 : f32
      %broadcast_in_dim3A_259 = vector.broadcast %jit3A_258 : f32 to vector<256x528xf32>
      %select_n3A_260 = arith.select %eq3A_257, %concatenate3A_125, %broadcast_in_dim3A_259 : vector<256x528xi1>, vector<256x528xf32>
      %reduce_min3A_261 = arith.constant dense<0x7F800000> : vector<256xf32>
      %reduce_min3A_262 = vector.multi_reduction <minimumf>, %select_n3A_260, %reduce_min3A_261 [1] : vector<256x528xf32> to vector<256xf32>
      %broadcast_in_dim3A_263 = vector.shape_cast %reduce_min3A_262 : vector<256xf32> to vector<256x1xf32>
      %eq3A_264 = vector.broadcast %broadcast_in_dim3A_263 : vector<256x1xf32> to vector<256x528xf32>
      %eq3A_265 = arith.cmpf oeq, %select_n3A_260, %eq3A_264 : vector<256x528xf32>
      %jit3A_266 = arith.constant 0x7F800000 : f32
      %broadcast_in_dim3A_267 = vector.broadcast %jit3A_266 : f32 to vector<256x528xf32>
      %select_n3A_268 = arith.select %eq3A_265, %broadcast_in_dim3A_267, %select_n3A_252 : vector<256x528xi1>, vector<256x528xf32>
      %reduce_min3A_269 = arith.constant dense<0x7F800000> : vector<256xf32>
      %reduce_min3A_270 = vector.multi_reduction <minimumf>, %select_n3A_268, %reduce_min3A_269 [1] : vector<256x528xf32> to vector<256xf32>
      %broadcast_in_dim3A_271 = vector.shape_cast %reduce_min3A_270 : vector<256xf32> to vector<256x1xf32>
      %eq3A_272 = vector.broadcast %broadcast_in_dim3A_271 : vector<256x1xf32> to vector<256x528xf32>
      %eq3A_273 = arith.cmpf oeq, %select_n3A_268, %eq3A_272 : vector<256x528xf32>
      %jit3A_274 = arith.constant 8.192000e+03 : f32
      %broadcast_in_dim3A_275 = vector.broadcast %jit3A_274 : f32 to vector<256x528xf32>
      %select_n3A_276 = arith.select %eq3A_273, %concatenate3A_125, %broadcast_in_dim3A_275 : vector<256x528xi1>, vector<256x528xf32>
      %reduce_min3A_277 = arith.constant dense<0x7F800000> : vector<256xf32>
      %reduce_min3A_278 = vector.multi_reduction <minimumf>, %select_n3A_276, %reduce_min3A_277 [1] : vector<256x528xf32> to vector<256xf32>
      %broadcast_in_dim3A_279 = vector.shape_cast %reduce_min3A_278 : vector<256xf32> to vector<256x1xf32>
      %eq3A_280 = vector.broadcast %broadcast_in_dim3A_279 : vector<256x1xf32> to vector<256x528xf32>
      %eq3A_281 = arith.cmpf oeq, %select_n3A_276, %eq3A_280 : vector<256x528xf32>
      %jit3A_282 = arith.constant 0x7F800000 : f32
      %broadcast_in_dim3A_283 = vector.broadcast %jit3A_282 : f32 to vector<256x528xf32>
      %select_n3A_284 = arith.select %eq3A_281, %broadcast_in_dim3A_283, %select_n3A_268 : vector<256x528xi1>, vector<256x528xf32>
      %reduce_min3A_285 = arith.constant dense<0x7F800000> : vector<256xf32>
      %reduce_min3A_286 = vector.multi_reduction <minimumf>, %select_n3A_284, %reduce_min3A_285 [1] : vector<256x528xf32> to vector<256xf32>
      %broadcast_in_dim3A_287 = vector.shape_cast %reduce_min3A_286 : vector<256xf32> to vector<256x1xf32>
      %eq3A_288 = vector.broadcast %broadcast_in_dim3A_287 : vector<256x1xf32> to vector<256x528xf32>
      %eq3A_289 = arith.cmpf oeq, %select_n3A_284, %eq3A_288 : vector<256x528xf32>
      %jit3A_290 = arith.constant 8.192000e+03 : f32
      %broadcast_in_dim3A_291 = vector.broadcast %jit3A_290 : f32 to vector<256x528xf32>
      %select_n3A_292 = arith.select %eq3A_289, %concatenate3A_125, %broadcast_in_dim3A_291 : vector<256x528xi1>, vector<256x528xf32>
      %reduce_min3A_293 = arith.constant dense<0x7F800000> : vector<256xf32>
      %reduce_min3A_294 = vector.multi_reduction <minimumf>, %select_n3A_292, %reduce_min3A_293 [1] : vector<256x528xf32> to vector<256xf32>
      %broadcast_in_dim3A_295 = vector.shape_cast %reduce_min3A_294 : vector<256xf32> to vector<256x1xf32>
      %eq3A_296 = vector.broadcast %broadcast_in_dim3A_295 : vector<256x1xf32> to vector<256x528xf32>
      %eq3A_297 = arith.cmpf oeq, %select_n3A_292, %eq3A_296 : vector<256x528xf32>
      %jit3A_298 = arith.constant 0x7F800000 : f32
      %broadcast_in_dim3A_299 = vector.broadcast %jit3A_298 : f32 to vector<256x528xf32>
      %select_n3A_300 = arith.select %eq3A_297, %broadcast_in_dim3A_299, %select_n3A_284 : vector<256x528xi1>, vector<256x528xf32>
      %reduce_min3A_301 = arith.constant dense<0x7F800000> : vector<256xf32>
      %reduce_min3A_302 = vector.multi_reduction <minimumf>, %select_n3A_300, %reduce_min3A_301 [1] : vector<256x528xf32> to vector<256xf32>
      %broadcast_in_dim3A_303 = vector.shape_cast %reduce_min3A_302 : vector<256xf32> to vector<256x1xf32>
      %eq3A_304 = vector.broadcast %broadcast_in_dim3A_303 : vector<256x1xf32> to vector<256x528xf32>
      %eq3A_305 = arith.cmpf oeq, %select_n3A_300, %eq3A_304 : vector<256x528xf32>
      %jit3A_306 = arith.constant 8.192000e+03 : f32
      %broadcast_in_dim3A_307 = vector.broadcast %jit3A_306 : f32 to vector<256x528xf32>
      %select_n3A_308 = arith.select %eq3A_305, %concatenate3A_125, %broadcast_in_dim3A_307 : vector<256x528xi1>, vector<256x528xf32>
      %reduce_min3A_309 = arith.constant dense<0x7F800000> : vector<256xf32>
      %reduce_min3A_310 = vector.multi_reduction <minimumf>, %select_n3A_308, %reduce_min3A_309 [1] : vector<256x528xf32> to vector<256xf32>
      %broadcast_in_dim3A_311 = vector.shape_cast %reduce_min3A_310 : vector<256xf32> to vector<256x1xf32>
      %eq3A_312 = vector.broadcast %broadcast_in_dim3A_311 : vector<256x1xf32> to vector<256x528xf32>
      %eq3A_313 = arith.cmpf oeq, %select_n3A_308, %eq3A_312 : vector<256x528xf32>
      %jit3A_314 = arith.constant 0x7F800000 : f32
      %broadcast_in_dim3A_315 = vector.broadcast %jit3A_314 : f32 to vector<256x528xf32>
      %select_n3A_316 = arith.select %eq3A_313, %broadcast_in_dim3A_315, %select_n3A_300 : vector<256x528xi1>, vector<256x528xf32>
      %reduce_min3A_317 = arith.constant dense<0x7F800000> : vector<256xf32>
      %reduce_min3A_318 = vector.multi_reduction <minimumf>, %select_n3A_316, %reduce_min3A_317 [1] : vector<256x528xf32> to vector<256xf32>
      %broadcast_in_dim3A_319 = vector.shape_cast %reduce_min3A_318 : vector<256xf32> to vector<256x1xf32>
      %eq3A_320 = vector.broadcast %broadcast_in_dim3A_319 : vector<256x1xf32> to vector<256x528xf32>
      %eq3A_321 = arith.cmpf oeq, %select_n3A_316, %eq3A_320 : vector<256x528xf32>
      %jit3A_322 = arith.constant 8.192000e+03 : f32
      %broadcast_in_dim3A_323 = vector.broadcast %jit3A_322 : f32 to vector<256x528xf32>
      %select_n3A_324 = arith.select %eq3A_321, %concatenate3A_125, %broadcast_in_dim3A_323 : vector<256x528xi1>, vector<256x528xf32>
      %reduce_min3A_325 = arith.constant dense<0x7F800000> : vector<256xf32>
      %reduce_min3A_326 = vector.multi_reduction <minimumf>, %select_n3A_324, %reduce_min3A_325 [1] : vector<256x528xf32> to vector<256xf32>
      %broadcast_in_dim3A_327 = vector.shape_cast %reduce_min3A_326 : vector<256xf32> to vector<256x1xf32>
      %eq3A_328 = vector.broadcast %broadcast_in_dim3A_327 : vector<256x1xf32> to vector<256x528xf32>
      %eq3A_329 = arith.cmpf oeq, %select_n3A_324, %eq3A_328 : vector<256x528xf32>
      %jit3A_330 = arith.constant 0x7F800000 : f32
      %broadcast_in_dim3A_331 = vector.broadcast %jit3A_330 : f32 to vector<256x528xf32>
      %select_n3A_332 = arith.select %eq3A_329, %broadcast_in_dim3A_331, %select_n3A_316 : vector<256x528xi1>, vector<256x528xf32>
      %reduce_min3A_333 = arith.constant dense<0x7F800000> : vector<256xf32>
      %reduce_min3A_334 = vector.multi_reduction <minimumf>, %select_n3A_332, %reduce_min3A_333 [1] : vector<256x528xf32> to vector<256xf32>
      %broadcast_in_dim3A_335 = vector.shape_cast %reduce_min3A_334 : vector<256xf32> to vector<256x1xf32>
      %eq3A_336 = vector.broadcast %broadcast_in_dim3A_335 : vector<256x1xf32> to vector<256x528xf32>
      %eq3A_337 = arith.cmpf oeq, %select_n3A_332, %eq3A_336 : vector<256x528xf32>
      %jit3A_338 = arith.constant 8.192000e+03 : f32
      %broadcast_in_dim3A_339 = vector.broadcast %jit3A_338 : f32 to vector<256x528xf32>
      %select_n3A_340 = arith.select %eq3A_337, %concatenate3A_125, %broadcast_in_dim3A_339 : vector<256x528xi1>, vector<256x528xf32>
      %reduce_min3A_341 = arith.constant dense<0x7F800000> : vector<256xf32>
      %reduce_min3A_342 = vector.multi_reduction <minimumf>, %select_n3A_340, %reduce_min3A_341 [1] : vector<256x528xf32> to vector<256xf32>
      %broadcast_in_dim3A_343 = vector.shape_cast %reduce_min3A_342 : vector<256xf32> to vector<256x1xf32>
      %eq3A_344 = vector.broadcast %broadcast_in_dim3A_343 : vector<256x1xf32> to vector<256x528xf32>
      %eq3A_345 = arith.cmpf oeq, %select_n3A_340, %eq3A_344 : vector<256x528xf32>
      %jit3A_346 = arith.constant 0x7F800000 : f32
      %broadcast_in_dim3A_347 = vector.broadcast %jit3A_346 : f32 to vector<256x528xf32>
      %select_n3A_348 = arith.select %eq3A_345, %broadcast_in_dim3A_347, %select_n3A_332 : vector<256x528xi1>, vector<256x528xf32>
      %reduce_min3A_349 = arith.constant dense<0x7F800000> : vector<256xf32>
      %reduce_min3A_350 = vector.multi_reduction <minimumf>, %select_n3A_348, %reduce_min3A_349 [1] : vector<256x528xf32> to vector<256xf32>
      %broadcast_in_dim3A_351 = vector.shape_cast %reduce_min3A_350 : vector<256xf32> to vector<256x1xf32>
      %eq3A_352 = vector.broadcast %broadcast_in_dim3A_351 : vector<256x1xf32> to vector<256x528xf32>
      %eq3A_353 = arith.cmpf oeq, %select_n3A_348, %eq3A_352 : vector<256x528xf32>
      %jit3A_354 = arith.constant 8.192000e+03 : f32
      %broadcast_in_dim3A_355 = vector.broadcast %jit3A_354 : f32 to vector<256x528xf32>
      %select_n3A_356 = arith.select %eq3A_353, %concatenate3A_125, %broadcast_in_dim3A_355 : vector<256x528xi1>, vector<256x528xf32>
      %reduce_min3A_357 = arith.constant dense<0x7F800000> : vector<256xf32>
      %reduce_min3A_358 = vector.multi_reduction <minimumf>, %select_n3A_356, %reduce_min3A_357 [1] : vector<256x528xf32> to vector<256xf32>
      %broadcast_in_dim3A_359 = vector.shape_cast %reduce_min3A_358 : vector<256xf32> to vector<256x1xf32>
      %eq3A_360 = vector.broadcast %broadcast_in_dim3A_359 : vector<256x1xf32> to vector<256x528xf32>
      %eq3A_361 = arith.cmpf oeq, %select_n3A_356, %eq3A_360 : vector<256x528xf32>
      %jit3A_362 = arith.constant 0x7F800000 : f32
      %broadcast_in_dim3A_363 = vector.broadcast %jit3A_362 : f32 to vector<256x528xf32>
      %select_n3A_364 = arith.select %eq3A_361, %broadcast_in_dim3A_363, %select_n3A_348 : vector<256x528xi1>, vector<256x528xf32>
      %reduce_min3A_365 = arith.constant dense<0x7F800000> : vector<256xf32>
      %reduce_min3A_366 = vector.multi_reduction <minimumf>, %select_n3A_364, %reduce_min3A_365 [1] : vector<256x528xf32> to vector<256xf32>
      %broadcast_in_dim3A_367 = vector.shape_cast %reduce_min3A_366 : vector<256xf32> to vector<256x1xf32>
      %eq3A_368 = vector.broadcast %broadcast_in_dim3A_367 : vector<256x1xf32> to vector<256x528xf32>
      %eq3A_369 = arith.cmpf oeq, %select_n3A_364, %eq3A_368 : vector<256x528xf32>
      %jit3A_370 = arith.constant 8.192000e+03 : f32
      %broadcast_in_dim3A_371 = vector.broadcast %jit3A_370 : f32 to vector<256x528xf32>
      %select_n3A_372 = arith.select %eq3A_369, %concatenate3A_125, %broadcast_in_dim3A_371 : vector<256x528xi1>, vector<256x528xf32>
      %reduce_min3A_373 = arith.constant dense<0x7F800000> : vector<256xf32>
      %reduce_min3A_374 = vector.multi_reduction <minimumf>, %select_n3A_372, %reduce_min3A_373 [1] : vector<256x528xf32> to vector<256xf32>
      %broadcast_in_dim3A_375 = vector.shape_cast %reduce_min3A_374 : vector<256xf32> to vector<256x1xf32>
      %eq3A_376 = vector.broadcast %broadcast_in_dim3A_375 : vector<256x1xf32> to vector<256x528xf32>
      %eq3A_377 = arith.cmpf oeq, %select_n3A_372, %eq3A_376 : vector<256x528xf32>
      %jit3A_378 = arith.constant 0x7F800000 : f32
      %broadcast_in_dim3A_379 = vector.broadcast %jit3A_378 : f32 to vector<256x528xf32>
      %select_n3A_380 = arith.select %eq3A_377, %broadcast_in_dim3A_379, %select_n3A_364 : vector<256x528xi1>, vector<256x528xf32>
      %concatenate3A_381 = tpu.concatenate %broadcast_in_dim3A_127, %broadcast_in_dim3A_143, %broadcast_in_dim3A_159, %broadcast_in_dim3A_175, %broadcast_in_dim3A_191, %broadcast_in_dim3A_207, %broadcast_in_dim3A_223, %broadcast_in_dim3A_239, %broadcast_in_dim3A_255, %broadcast_in_dim3A_271, %broadcast_in_dim3A_287, %broadcast_in_dim3A_303, %broadcast_in_dim3A_319, %broadcast_in_dim3A_335, %broadcast_in_dim3A_351, %broadcast_in_dim3A_367 in 1 : vector<256x1xf32>, vector<256x1xf32>, vector<256x1xf32>, vector<256x1xf32>, vector<256x1xf32>, vector<256x1xf32>, vector<256x1xf32>, vector<256x1xf32>, vector<256x1xf32>, vector<256x1xf32>, vector<256x1xf32>, vector<256x1xf32>, vector<256x1xf32>, vector<256x1xf32>, vector<256x1xf32>, vector<256x1xf32> -> vector<256x16xf32>
      %concatenate3A_382 = tpu.concatenate %broadcast_in_dim3A_135, %broadcast_in_dim3A_151, %broadcast_in_dim3A_167, %broadcast_in_dim3A_183, %broadcast_in_dim3A_199, %broadcast_in_dim3A_215, %broadcast_in_dim3A_231, %broadcast_in_dim3A_247, %broadcast_in_dim3A_263, %broadcast_in_dim3A_279, %broadcast_in_dim3A_295, %broadcast_in_dim3A_311, %broadcast_in_dim3A_327, %broadcast_in_dim3A_343, %broadcast_in_dim3A_359, %broadcast_in_dim3A_375 in 1 : vector<256x1xf32>, vector<256x1xf32>, vector<256x1xf32>, vector<256x1xf32>, vector<256x1xf32>, vector<256x1xf32>, vector<256x1xf32>, vector<256x1xf32>, vector<256x1xf32>, vector<256x1xf32>, vector<256x1xf32>, vector<256x1xf32>, vector<256x1xf32>, vector<256x1xf32>, vector<256x1xf32>, vector<256x1xf32> -> vector<256x16xf32>
      scf.yield %concatenate3A_381, %concatenate3A_382 : vector<256x16xf32>, vector<256x16xf32>
    }
    %jit3A = arith.constant 0.000000e+00 : f32
    %jit3A_83 = arith.constant 8.191000e+03 : f32
    %max3A = vector.broadcast %jit3A : f32 to vector<256x16xf32>
    %max3A_84 = arith.maximumf %max3A, %while3A_82#1 : vector<256x16xf32>
    %min3A = vector.broadcast %jit3A_83 : f32 to vector<256x16xf32>
    %min3A_85 = arith.minimumf %min3A, %max3A_84 : vector<256x16xf32>
    %convert_element_type3A_86 = arith.fptosi %min3A_85 : vector<256x16xf32> to vector<256x16xi32>
    %swap3A_87 = arith.constant 0 : index
    %swap3A_88 = arith.constant 0 : index
    %swap3A_89 = vector.load %arg19[%swap3A_87, %swap3A_88] : memref<256x16xi32, #tpu.memory_space<vmem>>, vector<256x16xi32>
    tpu.vector_store %arg19[%swap3A_87, %swap3A_88], %convert_element_type3A_86 {strides = array<i32>} : memref<256x16xi32, #tpu.memory_space<vmem>>, vector<256x16xi32>,
    return
  }
  func.func @transform_0(%arg0: i32, %arg1: memref<32xi32, #tpu.memory_space<smem>>, %arg2: memref<32xi32, #tpu.memory_space<smem>>) -> (i32, i32) {
    %c0_i32 = arith.constant 0 : i32
    %c0_i32_0 = arith.constant 0 : i32
    return %arg0, %c0_i32 : i32, i32
  }
  func.func @transform_1(%arg0: i32, %arg1: memref<32xi32, #tpu.memory_space<smem>>, %arg2: memref<32xi32, #tpu.memory_space<smem>>) -> (i32, i32) {
    %c0_i32 = arith.constant 0 : i32
    %c0_i32_0 = arith.constant 0 : i32
    return %arg0, %c0_i32 : i32, i32
  }
  func.func @transform_2(%arg0: i32, %arg1: memref<32xi32, #tpu.memory_space<smem>>, %arg2: memref<32xi32, #tpu.memory_space<smem>>) -> (i32, i32) {
    %c0_i32 = arith.constant 0 : i32
    %c0_i32_0 = arith.constant 0 : i32
    %c0_i32_1 = arith.constant 0 : i32
    return %c0_i32, %c0_i32_0 : i32, i32
  }
  func.func @transform_3(%arg0: i32, %arg1: memref<32xi32, #tpu.memory_space<smem>>, %arg2: memref<32xi32, #tpu.memory_space<smem>>) -> (i32, i32) {
    %c0_i32 = arith.constant 0 : i32
    %c0_i32_0 = arith.constant 0 : i32
    return %arg0, %c0_i32 : i32, i32
  }
  func.func @transform_4(%arg0: i32, %arg1: memref<32xi32, #tpu.memory_space<smem>>, %arg2: memref<32xi32, #tpu.memory_space<smem>>) -> (i32, i32) {
    %c0_i32 = arith.constant 0 : i32
    %c0_i32_0 = arith.constant 0 : i32
    %c0_i32_1 = arith.constant 0 : i32
    return %c0_i32, %c0_i32_0 : i32, i32
  }
  func.func @transform_5(%arg0: i32, %arg1: memref<32xi32, #tpu.memory_space<smem>>, %arg2: memref<32xi32, #tpu.memory_space<smem>>) -> (i32, i32) {
    %c0_i32 = arith.constant 0 : i32
    %c0_i32_0 = arith.constant 0 : i32
    %c0_i32_1 = arith.constant 0 : i32
    return %c0_i32, %c0_i32_0 : i32, i32
  }
  func.func @transform_6(%arg0: i32, %arg1: memref<32xi32, #tpu.memory_space<smem>>, %arg2: memref<32xi32, #tpu.memory_space<smem>>) -> (i32, i32) {
    %c0_i32 = arith.constant 0 : i32
    %c0_i32_0 = arith.constant 0 : i32
    %c0_i32_1 = arith.constant 0 : i32
    return %c0_i32, %c0_i32_0 : i32, i32
  }
  func.func @transform_7(%arg0: i32, %arg1: memref<32xi32, #tpu.memory_space<smem>>, %arg2: memref<32xi32, #tpu.memory_space<smem>>) -> (i32, i32) {
    %c0_i32 = arith.constant 0 : i32
    %c0_i32_0 = arith.constant 0 : i32
    %c0_i32_1 = arith.constant 0 : i32
    return %c0_i32, %c0_i32_0 : i32, i32
  }
  func.func @transform_8(%arg0: i32, %arg1: memref<32xi32, #tpu.memory_space<smem>>, %arg2: memref<32xi32, #tpu.memory_space<smem>>) -> (i32, i32) {
    %c0_i32 = arith.constant 0 : i32
    %c0_i32_0 = arith.constant 0 : i32
    %c0_i32_1 = arith.constant 0 : i32
    return %c0_i32, %c0_i32_0 : i32, i32
  }
  func.func @transform_9(%arg0: i32, %arg1: memref<32xi32, #tpu.memory_space<smem>>, %arg2: memref<32xi32, #tpu.memory_space<smem>>) -> (i32, i32) {
    %c0_i32 = arith.constant 0 : i32
    %c0_i32_0 = arith.constant 0 : i32
    %c0_i32_1 = arith.constant 0 : i32
    return %c0_i32, %c0_i32_0 : i32, i32
  }
  func.func @transform_10(%arg0: i32, %arg1: memref<32xi32, #tpu.memory_space<smem>>, %arg2: memref<32xi32, #tpu.memory_space<smem>>) -> (i32, i32) {
    %c0_i32 = arith.constant 0 : i32
    %c0_i32_0 = arith.constant 0 : i32
    %c0_i32_1 = arith.constant 0 : i32
    return %c0_i32, %c0_i32_0 : i32, i32
  }
  func.func @transform_11(%arg0: i32, %arg1: memref<32xi32, #tpu.memory_space<smem>>, %arg2: memref<32xi32, #tpu.memory_space<smem>>) -> (i32, i32) {
    %c0_i32 = arith.constant 0 : i32
    %c0_i32_0 = arith.constant 0 : i32
    %c0_i32_1 = arith.constant 0 : i32
    return %c0_i32, %c0_i32_0 : i32, i32
  }
  func.func @transform_12(%arg0: i32, %arg1: memref<32xi32, #tpu.memory_space<smem>>, %arg2: memref<32xi32, #tpu.memory_space<smem>>) -> (i32, i32) {
    %c0_i32 = arith.constant 0 : i32
    %c0_i32_0 = arith.constant 0 : i32
    %c0_i32_1 = arith.constant 0 : i32
    return %c0_i32, %c0_i32_0 : i32, i32
  }
  func.func @transform_13(%arg0: i32, %arg1: memref<32xi32, #tpu.memory_space<smem>>, %arg2: memref<32xi32, #tpu.memory_space<smem>>) -> (i32, i32) {
    %c0_i32 = arith.constant 0 : i32
    %c0_i32_0 = arith.constant 0 : i32
    %c0_i32_1 = arith.constant 0 : i32
    return %c0_i32, %c0_i32_0 : i32, i32
  }
  func.func @transform_14(%arg0: i32, %arg1: memref<32xi32, #tpu.memory_space<smem>>, %arg2: memref<32xi32, #tpu.memory_space<smem>>) -> (i32, i32) {
    %c0_i32 = arith.constant 0 : i32
    %c0_i32_0 = arith.constant 0 : i32
    return %arg0, %c0_i32 : i32, i32
  }
  func.func @transform_15(%arg0: i32, %arg1: memref<32xi32, #tpu.memory_space<smem>>, %arg2: memref<32xi32, #tpu.memory_space<smem>>) -> (i32, i32) {
    %c0_i32 = arith.constant 0 : i32
    %c0_i32_0 = arith.constant 0 : i32
    return %arg0, %c0_i32 : i32, i32
  }
  func.func @transform_16(%arg0: i32, %arg1: memref<32xi32, #tpu.memory_space<smem>>, %arg2: memref<32xi32, #tpu.memory_space<smem>>) -> (i32, i32) {
    %c0_i32 = arith.constant 0 : i32
    %c0_i32_0 = arith.constant 0 : i32
    return %arg0, %c0_i32 : i32, i32
  }
}

</mosaic_0001>

<sc_bundles>
// kernel: kernel.5.cloned.1.call-start
scs
__scs_entry_jumppad:
0x0: {  	(pc) =	sbr.rel $0x88, $3  }
0x1: {  	(tag) =	ssettag $0x0;
	lr =	simm.s32 $0x1  }
0x2: {  	[smem:$0x3F8C] =	sst lr;
	_ =	strace $0xD0000000  }
0x3: {  	_ = 	snop  }
0x4: {  	_ = 	snop  }
0x5: {  	_ = 	snop  }
0x6: {  	_ = 	snop  }
0x7: {  	_ = 	snop  }
__scs_overlays_trampoline_lowered:
0x8: {  	[smem:$0x3F9B] =	sst s0  }
0x9: {  	[smem:$0x3F9C] =	sst s1  }
0xa: {  	[smem:$0x3F9D] =	sst s2  }
0xb: {  	[smem:$0x3F9E] =	sst s3  }
0xc: {  	[smem:$0x3F9F] =	sst s4  }
0xd: {  	[smem:$0x3FA0] =	sst s5  }
0xe: {  	[smem:$0x3FA1] =	sst s6  }
0xf: {  	[smem:$0x3FA2] =	sst s7  }
0x10: {  	[smem:$0x3FA3] =	sst s8  }
0x11: {  	[smem:$0x3FA4] =	sst s9;
	s0 =	simm.s32 @!p0 $0x0  }
0x12: {  	s1 =	sld [smem:$0x3F8A];
	s0 =	simm.s32 @p0 $0x1  }
0x13: {  	[smem:$0x3FA5] =	sst s0;
	s0 =	simm.s32 @!p1 $0x0  }
0x14: {  	s2 =	sld [smem:$0x3F89];
	s0 =	simm.s32 @p1 $0x1  }
0x15: {  	[smem:$0x3FA6] =	sst s0;
	s0 =	simm.s32 @!p2 $0x0  }
0x16: {  	s3 =	sld [smem:$0x3FDB];
	s0 =	simm.s32 @p2 $0x1  }
0x17: {  	s4 =	simm.s32 $0x1BF5;
	[smem:$0x3FA8] =	sst s0  }
0x18: {  	s0 =	sld [smem:$0x3F8B];
	_ =	swait.ge [sflag:s4], $0x0  }
0x19: {  	s7 =	sld [smem:$0x3F8C]  }
0x1a: {  	s8 =	sadd.s32 $0xFFFFE003, lr  }
0x1b: {  	s9 =	sadd.s32 $0xFFFFFEF7, lr;
	s5 =	simm.s32 $0xFFFFFFFF;
	p2 =	slt.u32 s8, $0xFFFFF086  }
0x1c: {  	p1 =	slt.u32 s9, $0xF7A;
	s5 =	simm.s32 @!p2 $0x0  }
0x1d: {  	s5 =	simm.s32 @p1 $0x1;
	p0 =	seq.s32 s7, s2  }
0x1e: {  	s7 =	smul.u32 @!p0 $0xF7A, s2;
	p2 =	seq.s32 @!p0 s5, $0x0  }
0x1f: {  	s9 =	smul.u32 $0xF7A, s1;
	s8 =	simm.s32 @!p0 $0x1BF5;
	p2 =	por !p2, p0  }
0x20: {  	[sflag:s8] =	ssyncset.s32 @!p0 $0xFFFFF086;
	s6 =	sadd.s32 @!p0 s3, s7;
	s7 =	simm.s32 @!p0 $0x108  }
0x21: {  	s3 =	sadd.s32 s3, s9;
	s6 =	sadd.s32 @!p0 $0x88, s6;
	s7 =	simm.s32 @p2 $0x1082  }
0x22: {  	[simem:s7], [sflag:s8] =	dma.local @!p0 [hbm:s6], $0xF7A  }
0x23: {  	s9 =	sor.u32 $0xD0000000, s2;
	s6 =	simm.s32 $0x108;
	_ =	swait.ge @!p0 [sflag:s8], $0x0  }
0x24: {  	s3 =	sadd.s32 $0x88, s3;
	s6 =	simm.s32 @!p1 $0x1082;
	[sflag:s4] =	ssyncset.s32 $0xFFFFF086  }
0x25: {  	[simem:s6], [sflag:s4] =	dma.local [hbm:s3], $0xF7A  }
0x26: {  	[smem:$0x3F8C] =	sst s1;
	(tag) =	ssettag s2;
	_ =	strace s9  }
0x27: {  	s1 =	sld [smem:$0x3F9C]  }
0x28: {  	s2 =	sld [smem:$0x3F9D]  }
0x29: {  	s4 =	sld [smem:$0x3F9F]  }
0x2a: {  	p0 =	seq.s32 s5, $0x0;
	s5 =	sld [smem:$0x3FA0]  }
0x2b: {  	s6 =	sld [smem:$0x3FA1]  }
0x2c: {  	s7 =	sld [smem:$0x3FA2]  }
0x2d: {  	s3 =	simm.s32 $0x108;
	s8 =	sld [smem:$0x3FA3]  }
0x2e: {  	s3 =	simm.s32 @!p0 $0x1082;
	s9 =	sld [smem:$0x3FA4]  }
0x2f: {  	lr =	sadd.s32 s0, s3;
	s0 =	sld [smem:$0x3F9B]  }
0x30: {  	s3 =	sld [smem:$0x3F9E]  }
0x31: {  	[smem:$0x3FA7] =	sst s10  }
0x32: {  	s10 =	sld [smem:$0x3FA5];
	_ =	sdelay $0x3  }
0x33: {  	p0 =	seq.s32 s10, $0x1;
	s10 =	sld [smem:$0x3FA7];
	_ =	sdelay $0x3  }
0x34: {  	[smem:$0x3FA7] =	sst s10  }
0x35: {  	s10 =	sld [smem:$0x3FA6];
	_ =	sdelay $0x3  }
0x36: {  	p1 =	seq.s32 s10, $0x1;
	s10 =	sld [smem:$0x3FA7];
	_ =	sdelay $0x3  }
0x37: {  	[smem:$0x3FA7] =	sst s10  }
0x38: {  	s10 =	sld [smem:$0x3FA8]  }
0x39: {  	_ = 	snop;
	(pc) =	sbr.ind lr, $3  }
0x3a: {  	_ = 	snop  }
0x3b: {  	_ = 	snop  }
0x3c: {  	p2 =	seq.s32 s10, $0x1;
	s10 =	sld [smem:$0x3FA7]  }
0x3d: {  	_ =	shalt  }
0x3e: {  	_ =	shalt  }
0x3f: {  	_ =	shalt  }
0x40: {  	_ =	shalt  }
0x41: {  	_ =	shalt  }
0x42: {  	_ =	shalt  }
0x43: {  	_ =	shalt  }
0x44: {  	_ =	shalt  }
0x45: {  	_ =	shalt  }
0x46: {  	_ =	shalt  }
0x47: {  	_ =	shalt  }
0x48: {  	_ =	shalt  }
0x49: {  	_ =	shalt  }
0x4a: {  	_ =	shalt  }
0x4b: {  	_ =	shalt  }
0x4c: {  	_ =	shalt  }
0x4d: {  	_ =	shalt  }
0x4e: {  	_ =	shalt  }
0x4f: {  	_ =	shalt  }
0x50: {  	_ =	shalt  }
0x51: {  	_ =	shalt  }
0x52: {  	_ =	shalt  }
0x53: {  	_ =	shalt  }
0x54: {  	_ =	shalt  }
0x55: {  	_ =	shalt  }
0x56: {  	_ =	shalt  }
0x57: {  	_ =	shalt  }
0x58: {  	_ =	shalt  }
0x59: {  	_ =	shalt  }
0x5a: {  	_ =	shalt  }
0x5b: {  	_ =	shalt  }
0x5c: {  	_ =	shalt  }
0x5d: {  	_ =	shalt  }
0x5e: {  	_ =	shalt  }
0x5f: {  	_ =	shalt  }
0x60: {  	_ =	shalt  }
0x61: {  	_ =	shalt  }
0x62: {  	_ =	shalt  }
0x63: {  	_ =	shalt  }
0x64: {  	_ =	shalt  }
0x65: {  	_ =	shalt  }
0x66: {  	_ =	shalt  }
0x67: {  	_ =	shalt  }
0x68: {  	_ =	shalt  }
0x69: {  	_ =	shalt  }
0x6a: {  	_ =	shalt  }
0x6b: {  	_ =	shalt  }
0x6c: {  	_ =	shalt  }
0x6d: {  	_ =	shalt  }
0x6e: {  	_ =	shalt  }
0x6f: {  	_ =	shalt  }
0x70: {  	_ =	shalt  }
0x71: {  	_ =	shalt  }
0x72: {  	_ =	shalt  }
0x73: {  	_ =	shalt  }
0x74: {  	_ =	shalt  }
0x75: {  	_ =	shalt  }
0x76: {  	_ =	shalt  }
0x77: {  	_ =	shalt  }
0x78: {  	_ =	shalt  }
0x79: {  	_ =	shalt  }
0x7a: {  	_ =	shalt  }
0x7b: {  	_ =	shalt  }
0x7c: {  	_ =	shalt  }
0x7d: {  	_ =	shalt  }
0x7e: {  	_ =	shalt  }
0x7f: {  	_ =	shalt  }
0x80: {  	_ =	shalt  }
0x81: {  	_ =	shalt  }
0x82: {  	_ =	shalt  }
0x83: {  	_ =	shalt  }
0x84: {  	_ =	shalt  }
0x85: {  	_ =	shalt  }
0x86: {  	_ =	shalt  }
0x87: {  	_ =	shalt  }
.Lfunc_end0:
.L_simem_size_0:
called_computation_lowered:
.L_overlay_start_0:
0x88: {  	s2 =	sld [smem:$0x3FD9]  }
0x89: {  	s3 =	sld [smem:$0x3FFE];
	_ =	sdelay $0x1  }
0x8a: {  	s1 =	srdreg.scid  }
0x8b: {  	s0 =	sand.u32 $0x1, s1  }
0x8c: {  	s14 =	sshll.u32 s0, $0xA;
	s2 =	sadd.s32 s3, s2  }
0x8d: {  	s2 =	sadd.s32 s2, s14  }
0x8e: {  	[smem:$0x3FB3] =	sst s2  }
0x8f: {  	_ = 	snop  }
0x90: {  	s2 =	sld [smem:$0x3FD0];
	_ =	sdelay $0x2  }
0x91: {  	s15 =	simm.s32 $0xA;
	s4 =	simm.s32 $0x10  }
0x92: {  	[smem:s4], [sflag:s15] =	dma.local [hbm:s2], $0x1  }
0x93: {  	_ =	swait.eq [sflag:s15], $0x1  }
0x94: {  	[sflag:s15] =	ssyncset.done $0x0  }
0x95: {  	[sflag:s15] =	ssyncadd.s32 $0xFFFFFFFF  }
0x96: {  	s16 =	sld [smem:$0x10];
	(tm) =	ssettm $0x1  }
0x97: {  	s17 =	sld [smem:$0x3FFB];
	_ =	sdelay $0x3  }
0x98: {  	_ =	strace s17  }
0x99: {  	s3 =	sld [smem:$0x3FFC];
	_ =	sdelay $0x3  }
0x9a: {  	_ =	strace s3  }
0x9b: {  	s3 =	sld [smem:$0x3FFD];
	_ =	sdelay $0x3  }
0x9c: {  	_ =	strace s3  }
0x9d: {  	_ =	strace $0x8FFFFFFF  }
0x9e: {  	s18 =	sld [smem:$0x3FDB];
	_ =	sdelay $0x1  }
0x9f: {  	s19 =	simm.s32 $_scs_section_size  }
0xa0: {  	s5 =	simm.s32 $_size__tile_overlayer_lowered;
	s6 =	simm.s32 $_tile_overlayer_lowered  }
0xa1: {  	s22 =	simm.s32 $0x1BFF;
	s21 =	sshll.u32 s6, $0x1;
	s3 =	sadd.s32 s19, s18  }
0xa2: {  	s7 =	simm.s32 $0x0;
	s20 =	sshll.u32 s5, $0x1;
	s5 =	sadd.s32 s21, s3  }
0xa3: {  	[timem:s7], [sflag:s22] =	dma.local [hbm:s5], s20  }
0xa4: {  	_ =	swait.ge [sflag:s22], s20  }
0xa5: {  	s4 =	ssub.s32 $0x0, s20;
	[sflag:s22] =	ssyncset.done $0x0  }
0xa6: {  	[sflag:s22] =	ssyncadd.s32 s4;
	_ =	sdelay $0x1  }
0xa7: {  	s23 =	simm.s32 $0x1B8B  }
0xa8: {  	_ =	swait.ge [sflag:s23], $0x1  }
0xa9: {  	[sflag:s23] =	ssyncset.done $0x0  }
0xaa: {  	s25 =	simm.s32 $0x1B8E;
	s24 =	sld [smem:$0x3FFE];
	[sflag:s23] =	ssyncadd.s32 $0xFFFFFFFF  }
0xab: {  	s26 =	simm.s32 $execute0_lowered;
	[smem:$0x3FD2] =	sst s25  }
0xac: {  	s5 =	sshll.u32 s26, $0x1;
	_ =	strace $0x80000046;
	[dreg:$0x1] =	wrdreg $0xFFFFFFFF  }
0xad: {  	s28 =	simm.s32 $_size_execute0_lowered;
	s3 =	sadd.s32 s3, s5;
	[dreg:$0x0] =	wrdreg $0x0  }
0xae: {  	s5 =	sshll.u32 s28, $0x1;
	[dreg:$0x2] =	wrdreg s3  }
0xaf: {  	[dreg:$0x3] =	wrdreg s5  }
0xb0: {  	[dreg:$0x4] =	wrdreg $0xC0  }
0xb1: {  	_ =	task [dreg:s7], $0x5FFFF  }
0xb2: {  	[dreg:$0x1] =	wrdreg $0xFFFFFFFF  }
0xb3: {  	[dreg:$0x0] =	wrdreg $0x60  }
0xb4: {  	[dreg:$0x2] =	wrdreg s16  }
0xb5: {  	[dreg:$0x3] =	wrdreg s24  }
0xb6: {  	[dreg:$0x4] =	wrdreg $0x9  }
0xb7: {  	_ =	task.clear_ibuf [dreg:s7], $0x5FFFF;
	_ =	strace $0x90000046  }
0xb8: {  	s29 =	simm.s32 $0x9;
	_ =	strace $0x80000048  }
0xb9: {  	_ =	swait.ge [sflag:s29], $0x1  }
0xba: {  	[sflag:s29] =	ssyncadd.s32 $0xFFFFFFFF  }
0xbb: {  	_ =	strace $0x90000048  }
0xbc: {  	_ =	sfence  }
0xbd: {  	s30 =	sld [smem:$0x0];
	_ =	sdelay $0x2  }
0xbe: {  	s31 =	sshll.u32 s1, $0xD;
	s1 =	sshrl.u32 s1, $0x2  }
0xbf: {  	s3 =	sand.u32 $0x4000, s31;
	s1 =	sadd.s32 s1, s30  }
0xc0: {  	s0 =	sor.u32 s3, s0;
	s1 =	sshll.u32 s1, $0x11  }
0xc1: {  	s0 =	sor.u32 s1, s0  }
0xc2: {  	s0 =	sadd.s32 $0x8F2B, s0  }
0xc3: {  	[sflag:s0] =	ssyncadd.remote.s32 $0x1  }
0xc4: {  	_ =	sfence.sel $0xFFFF  }
0xc5: {  	[dreg:$0x0] =	wrdreg $0xFFFFFFFF;
	(pc) =	sbr.abs _section_cstart, $3  }
0xc6: {  	[dreg:$0x1] =	wrdreg $0xFFFFFFFF  }
0xc7: {  	_ =	task.clear_ibuf [dreg:s7], $0x2FFFF;
	_ =	strace $0x9FFFFFFF  }
0xc8: {  	(tm) =	ssettm $0x7FFFFFFF  }
0xc9: {  	_ =	shalt  }
tec
execute0_lowered:
.L_overlay_start_1:
0x0: {  	(tag) =	ssettag $0x1  }
0x1: {  	s0 =	srdreg.scid  }
0x2: {  	s1 =	stileid.u32;
	s0 =	sand.u32 $0x1, s0  }
0x3: {  	s1 =	sshll.u32 s1, $0xD;
	s3 =	sshll.u32 s0, $0xC  }
0x4: {  	s4 =	sor.u32 s3, s1  }
0x5: {  	s2 =	rddreg [dreg:$0x0];
	s3 =	sor.u32 $0x80, s4  }
0x6: {  	s1 =	rddreg [dreg:$0x1];
	s5 =	sshrl.u32 s3, $0x3;
	s3 =	simm.s32 $0x0  }
0x7: {  	s22 =	simm.s32 $0x1800;
	[smem:$0x7FF] =	sst s3  }
0x8: {  	s23 =	simm.s32 $0x1C00;
	_ =	strace $0x80000047;
	[dreg:$0x5] =	wrdreg s22  }
0x9: {  	s24 =	simm.s32 $0x2400;
	[dreg:$0x6] =	wrdreg s23  }
0xa: {  	s25 =	simm.s32 $0x2800;
	[dreg:$0x7] =	wrdreg s24  }
0xb: {  	s26 =	simm.s32 $0x3000;
	[dreg:$0x8] =	wrdreg s25  }
0xc: {  	s8 =	simm.s32 $0x4000;
	[dreg:$0x9] =	wrdreg s26  }
0xd: {  	s9 =	simm.s32 $0x4800;
	[dreg:$0xc] =	wrdreg s8  }
0xe: {  	s10 =	simm.s32 $0x4C00;
	[dreg:$0xd] =	wrdreg s9  }
0xf: {  	s11 =	simm.s32 $0x5400;
	[dreg:$0xe] =	wrdreg s10  }
0x10: {  	s12 =	simm.s32 $0x5800;
	[dreg:$0xf] =	wrdreg s11  }
0x11: {  	s13 =	simm.s32 $0x6000;
	[dreg:$0x10] =	wrdreg s12  }
0x12: {  	s14 =	simm.s32 $0x6400;
	[dreg:$0x11] =	wrdreg s13  }
0x13: {  	s15 =	simm.s32 $0x6C00;
	[dreg:$0x12] =	wrdreg s14  }
0x14: {  	s16 =	simm.s32 $0x7000;
	[dreg:$0x13] =	wrdreg s15  }
0x15: {  	s17 =	simm.s32 $0x7800;
	s18 =	simm.s32 $0x7C00;
	[dreg:$0x14] =	wrdreg s16  }
0x16: {  	s19 =	simm.s32 $0x8400;
	s20 =	simm.s32 $0x8800;
	[dreg:$0x15] =	wrdreg s17  }
0x17: {  	s4 =	sshrl.u32 s4, $0x3;
	s6 =	sadd.s32 $0x27E00, s1;
	[dreg:$0x16] =	wrdreg s18  }
0x18: {  	s7 =	smul.u32 $0x180, s4;
	s1 =	sadd.s32 s4, s1;
	[dreg:$0x17] =	wrdreg s19  }
0x19: {  	s1 =	sadd.s32 $0x23E00, s1;
	[dreg:$0x18] =	wrdreg s20  }
0x1a: {  	s21 =	sadd.s32 s7, s6;
	[smem:$0x7F7] =	sst s1  }
0x1b: {  	s7 =	simm.s32 $0x3C00;
	[dreg:$0x4] =	wrdreg s21  }
0x1c: {  	s22 =	simm.s32 $0x9400;
	[dreg:$0xb] =	wrdreg s7  }
0x1d: {  	s23 =	simm.s32 $0x9C00;
	[dreg:$0x1a] =	wrdreg s22  }
0x1e: {  	s24 =	simm.s32 $0xA000;
	[dreg:$0x1b] =	wrdreg s23  }
0x1f: {  	s25 =	simm.s32 $0xA800;
	[dreg:$0x1c] =	wrdreg s24  }
0x20: {  	s26 =	simm.s32 $0xAC00;
	[dreg:$0x1d] =	wrdreg s25  }
0x21: {  	s8 =	simm.s32 $0xC000;
	[dreg:$0x1e] =	wrdreg s26  }
0x22: {  	s9 =	simm.s32 $0xC400;
	[smem:$0x7EA] =	sst s8  }
0x23: {  	s10 =	simm.s32 $0xCC00;
	[smem:$0x7EB] =	sst s9  }
0x24: {  	s28 =	simm.s32 $0x2;
	s11 =	simm.s32 $0xD800;
	[smem:$0x7EC] =	sst s10  }
0x25: {  	s29 =	simm.s32 $0x3;
	s12 =	simm.s32 $0xDC00;
	[smem:$0x7ED] =	sst s11  }
0x26: {  	s30 =	simm.s32 $0x4;
	s13 =	simm.s32 $0xE400;
	[smem:$0x7EE] =	sst s12  }
0x27: {  	s31 =	simm.s32 $0x0;
	s14 =	simm.s32 $0xE800;
	[smem:$0x7EF] =	sst s13  }
0x28: {  	s0 =	ssub.s32 $0x2, s0;
	s15 =	simm.s32 $0xF000;
	[smem:$0x7F0] =	sst s14  }
0x29: {  	s5 =	smul.u32 $0x180, s5;
	s16 =	simm.s32 $0xF400;
	[smem:$0x7F1] =	sst s15  }
0x2a: {  	s17 =	simm.s32 $0xFC00;
	s18 =	simm.s32 $0x10000;
	[smem:$0x7F2] =	sst s16  }
0x2b: {  	s19 =	simm.s32 $0x10800;
	s20 =	sshrl.u32 s0, $0x1;
	[smem:$0x7F3] =	sst s17  }
0x2c: {  	s5 =	sadd.s32 s5, s6;
	s6 =	simm.s32 $0x3400;
	[smem:$0x7F4] =	sst s18  }
0x2d: {  	s21 =	simm.s32 $0x9000;
	s7 =	simm.s32 $0xB800;
	[smem:$0x7F5] =	sst s19  }
0x2e: {  	s0 =	ssub.s32 s0, s20;
	s22 =	simm.s32 $0x11400;
	s23 =	simm.s32 $0x11800  }
0x2f: {  	s24 =	simm.s32 $0x12000;
	s25 =	simm.s32 $0x12400;
	s26 =	simm.s32 $0x12C00  }
0x30: {  	s8 =	simm.s32 $0x1000;
	s9 =	simm.s32 $0xD000;
	[dreg:$0x3] =	wrdreg s5  }
0x31: {  	s10 =	simm.s32 $0x13000;
	s11 =	simm.s32 $0x13800;
	[dreg:$0xa] =	wrdreg s6  }
0x32: {  	s12 =	simm.s32 $0x13C00;
	s13 =	simm.s32 $0x14400;
	[dreg:$0x19] =	wrdreg s21  }
0x33: {  	s14 =	simm.s32 $0x14800;
	s15 =	simm.s32 $0x15000;
	[smem:$0x7E9] =	sst s7  }
0x34: {  	s16 =	simm.s32 $0x15400;
	s17 =	simm.s32 $0x15C00;
	[smem:$0x7F8] =	sst s22  }
0x35: {  	s18 =	simm.s32 $0x16000;
	s19 =	simm.s32 $0x16800;
	[smem:$0x7F9] =	sst s23  }
0x36: {  	s20 =	simm.s32 $0x16C00;
	s6 =	simm.s32 $0xB400;
	[smem:$0x7FB] =	sst s24  }
0x37: {  	s21 =	simm.s32 $0x10C00;
	s5 =	sadd.s32 $0x100, s2;
	[smem:$0x7FC] =	sst s25  }
0x38: {  	s0 =	smax.u32 s0, $0x1;
	s7 =	simm.s32 $0x5;
	[smem:$0x7FD] =	sst s26  }
0x39: {  	v2 =	vlaneseq.u32;
	s22 =	simm.s32 $0x17800;
	s23 =	simm.s32 $0x18000;
	[dreg:$0x1f] =	wrdreg s6  }
0x3a: {  	vm0 =	vmmov $0xffff;
	vm1 =	vmmov $0xff;
	v1 =	vshrl.u32 v2, $0x3;
	s24 =	simm.s32 $0x18400;
	s25 =	simm.s32 $0x18C00;
	[smem:$0x7F6] =	sst s21  }
0x3b: {  	v0 =	vand.u32 $0x7, v2;
	v2 =	vor.u32 $0x8, v2;
	v1 =	vmul.u32 $0x8, v1;
	s26 =	simm.s32 $0x1;
	[smem:$0x7FA] =	sst s0;
	s21 =	simm.s32 $0x17400  }
.LBB2_1:
0x3c: {  	s0 =	sld [smem:$0x7F7];
	_ =	sdelay $0x2  }
0x3d: {  	[tilespmem:s3], [sflag:$0x5] =	stream.linear.gather [hbm4b:s0+s3], $0x1000, $0x38;
	[tilespmem:$0x19000] =	vst v63  }
0x3e: {  	_ =	swait.ge [sflag:s7], $0x1000  }
0x3f: {  	[sflag:s7] =	ssyncset.done $0x0  }
0x40: {  	s1 =	simm.s32 $0x80;
	s0 =	simm.s32 $0x0;
	[sflag:s7] =	ssyncadd.s32 $0xFFFFF000  }
.LBB2_2:
0x41: {  	v3 =	vld [tilespmem:s1+$0xFFFFFF80];
	_ =	sdelay $0x4  }
0x42: {  	v4 =	vshrl.u32 v3, $0x3  }
0x43: {  	v4 =	vmul.u32 $0x18, v4  }
0x44: {  	v3 =	vand.u32 $0x7, v3  }
0x45: {  	v3 =	vor.u32 v3, v4  }
0x46: {  	v4 =	vperm.xlane v3, v0;
	_ =	sdelay $0x1  }
0x47: {  	v4 =	vadd.s32 v1, v4;
	_ =	sdelay $0x1  }
0x48: {  	v3 =	vperm.xlane v3, v2;
	_ =	sdelay $0x1  }
0x49: {  	v3 =	vadd.s32 v1, v3  }
0x4a: {  	[tilespmem:s8], [sflag:$0x1] =	stream.indirect_vreg.gather [hbm4b:s2+s3], $0x80, v4, vm0, $0xb8;
	[tilespmem:$0x19000] =	vst v63  }
0x4b: {  	s4 =	rddreg [dreg:$0x5]  }
0x4c: {  	[tilespmem:s4], [sflag:$0x1] =	stream.indirect_vreg.gather [hbm4b:s5+s3], $0x80, v4, vm1, $0xb8;
	[tilespmem:$0x19000] =	vst v63  }
0x4d: {  	s6 =	rddreg [dreg:$0x6]  }
0x4e: {  	[tilespmem:s6], [sflag:$0x1] =	stream.indirect_vreg.gather [hbm4b:s2+s3], $0x80, v3, vm0, $0xb8;
	[tilespmem:$0x19000] =	vst v63  }
0x4f: {  	s4 =	rddreg [dreg:$0x7]  }
0x50: {  	[tilespmem:s4], [sflag:$0x1] =	stream.indirect_vreg.gather [hbm4b:s5+s3], $0x80, v3, vm1, $0xb8;
	[tilespmem:$0x19000] =	vst v63  }
0x51: {  	v3 =	vld [tilespmem:s1+$0xFFFFFF90];
	_ =	sdelay $0x4  }
0x52: {  	v49 =	vshrl.u32 v3, $0x3  }
0x53: {  	v4 =	vmul.u32 $0x18, v49  }
0x54: {  	v3 =	vand.u32 $0x7, v3  }
0x55: {  	v3 =	vor.u32 v3, v4  }
0x56: {  	v4 =	vperm.xlane v3, v0;
	_ =	sdelay $0x1  }
0x57: {  	v4 =	vadd.s32 v1, v4;
	_ =	sdelay $0x1  }
0x58: {  	v3 =	vperm.xlane v3, v2;
	_ =	sdelay $0x1  }
0x59: {  	s4 =	rddreg [dreg:$0x8];
	v3 =	vadd.s32 v1, v3  }
0x5a: {  	[tilespmem:s4], [sflag:$0x1] =	stream.indirect_vreg.gather [hbm4b:s2+s3], $0x80, v4, vm0, $0xb8;
	[tilespmem:$0x19000] =	vst v63  }
0x5b: {  	s6 =	rddreg [dreg:$0x9]  }
0x5c: {  	[tilespmem:s6], [sflag:$0x1] =	stream.indirect_vreg.gather [hbm4b:s5+s3], $0x80, v4, vm1, $0xb8;
	[tilespmem:$0x19000] =	vst v63  }
0x5d: {  	s4 =	rddreg [dreg:$0xa]  }
0x5e: {  	[tilespmem:s4], [sflag:$0x1] =	stream.indirect_vreg.gather [hbm4b:s2+s3], $0x80, v3, vm0, $0xb8;
	[tilespmem:$0x19000] =	vst v63  }
0x5f: {  	s6 =	rddreg [dreg:$0xb]  }
0x60: {  	[tilespmem:s6], [sflag:$0x1] =	stream.indirect_vreg.gather [hbm4b:s5+s3], $0x80, v3, vm1, $0xb8;
	[tilespmem:$0x19000] =	vst v63  }
0x61: {  	v3 =	vld [tilespmem:s1+$0xFFFFFFA0];
	_ =	sdelay $0x4  }
0x62: {  	v50 =	vshrl.u32 v3, $0x3  }
0x63: {  	v4 =	vmul.u32 $0x18, v50  }
0x64: {  	v3 =	vand.u32 $0x7, v3  }
0x65: {  	v3 =	vor.u32 v3, v4  }
0x66: {  	v4 =	vperm.xlane v3, v0;
	_ =	sdelay $0x1  }
0x67: {  	v4 =	vadd.s32 v1, v4;
	_ =	sdelay $0x1  }
0x68: {  	v3 =	vperm.xlane v3, v2;
	_ =	sdelay $0x1  }
0x69: {  	s4 =	rddreg [dreg:$0xc];
	v3 =	vadd.s32 v1, v3  }
0x6a: {  	[tilespmem:s4], [sflag:$0x1] =	stream.indirect_vreg.gather [hbm4b:s2+s3], $0x80, v4, vm0, $0xb8;
	[tilespmem:$0x19000] =	vst v63  }
0x6b: {  	s6 =	rddreg [dreg:$0xd]  }
0x6c: {  	[tilespmem:s6], [sflag:$0x1] =	stream.indirect_vreg.gather [hbm4b:s5+s3], $0x80, v4, vm1, $0xb8;
	[tilespmem:$0x19000] =	vst v63  }
0x6d: {  	s4 =	rddreg [dreg:$0xe]  }
0x6e: {  	[tilespmem:s4], [sflag:$0x1] =	stream.indirect_vreg.gather [hbm4b:s2+s3], $0x80, v3, vm0, $0xb8;
	[tilespmem:$0x19000] =	vst v63  }
0x6f: {  	s6 =	rddreg [dreg:$0xf]  }
0x70: {  	[tilespmem:s6], [sflag:$0x1] =	stream.indirect_vreg.gather [hbm4b:s5+s3], $0x80, v3, vm1, $0xb8;
	[tilespmem:$0x19000] =	vst v63  }
0x71: {  	v3 =	vld [tilespmem:s1+$0xFFFFFFB0];
	_ =	sdelay $0x4  }
0x72: {  	v51 =	vshrl.u32 v3, $0x3  }
0x73: {  	v4 =	vmul.u32 $0x18, v51  }
0x74: {  	v3 =	vand.u32 $0x7, v3  }
0x75: {  	v3 =	vor.u32 v3, v4  }
0x76: {  	v4 =	vperm.xlane v3, v0;
	_ =	sdelay $0x1  }
0x77: {  	v4 =	vadd.s32 v1, v4;
	_ =	sdelay $0x1  }
0x78: {  	v3 =	vperm.xlane v3, v2;
	_ =	sdelay $0x1  }
0x79: {  	s4 =	rddreg [dreg:$0x10];
	v3 =	vadd.s32 v1, v3  }
0x7a: {  	[tilespmem:s4], [sflag:$0x1] =	stream.indirect_vreg.gather [hbm4b:s2+s3], $0x80, v4, vm0, $0xb8;
	[tilespmem:$0x19000] =	vst v63  }
0x7b: {  	s6 =	rddreg [dreg:$0x11]  }
0x7c: {  	[tilespmem:s6], [sflag:$0x1] =	stream.indirect_vreg.gather [hbm4b:s5+s3], $0x80, v4, vm1, $0xb8;
	[tilespmem:$0x19000] =	vst v63  }
0x7d: {  	s4 =	rddreg [dreg:$0x12]  }
0x7e: {  	[tilespmem:s4], [sflag:$0x1] =	stream.indirect_vreg.gather [hbm4b:s2+s3], $0x80, v3, vm0, $0xb8;
	[tilespmem:$0x19000] =	vst v63  }
0x7f: {  	s6 =	rddreg [dreg:$0x13]  }
0x80: {  	[tilespmem:s6], [sflag:$0x1] =	stream.indirect_vreg.gather [hbm4b:s5+s3], $0x80, v3, vm1, $0xb8;
	[tilespmem:$0x19000] =	vst v63  }
0x81: {  	v3 =	vld [tilespmem:s1+$0xFFFFFFC0];
	_ =	sdelay $0x4  }
0x82: {  	v52 =	vshrl.u32 v3, $0x3  }
0x83: {  	v4 =	vmul.u32 $0x18, v52  }
0x84: {  	v3 =	vand.u32 $0x7, v3  }
0x85: {  	v3 =	vor.u32 v3, v4  }
0x86: {  	v4 =	vperm.xlane v3, v0;
	_ =	sdelay $0x1  }
0x87: {  	v4 =	vadd.s32 v1, v4;
	_ =	sdelay $0x1  }
0x88: {  	v3 =	vperm.xlane v3, v2;
	_ =	sdelay $0x1  }
0x89: {  	s4 =	rddreg [dreg:$0x14];
	v3 =	vadd.s32 v1, v3  }
0x8a: {  	[tilespmem:s4], [sflag:$0x1] =	stream.indirect_vreg.gather [hbm4b:s2+s3], $0x80, v4, vm0, $0xb8;
	[tilespmem:$0x19000] =	vst v63  }
0x8b: {  	s6 =	rddreg [dreg:$0x15]  }
0x8c: {  	[tilespmem:s6], [sflag:$0x1] =	stream.indirect_vreg.gather [hbm4b:s5+s3], $0x80, v4, vm1, $0xb8;
	[tilespmem:$0x19000] =	vst v63  }
0x8d: {  	s4 =	rddreg [dreg:$0x16]  }
0x8e: {  	[tilespmem:s4], [sflag:$0x1] =	stream.indirect_vreg.gather [hbm4b:s2+s3], $0x80, v3, vm0, $0xb8;
	[tilespmem:$0x19000] =	vst v63  }
0x8f: {  	s6 =	rddreg [dreg:$0x17]  }
0x90: {  	[tilespmem:s6], [sflag:$0x1] =	stream.indirect_vreg.gather [hbm4b:s5+s3], $0x80, v3, vm1, $0xb8;
	[tilespmem:$0x19000] =	vst v63  }
0x91: {  	v3 =	vld [tilespmem:s1+$0xFFFFFFD0];
	_ =	sdelay $0x4  }
0x92: {  	v53 =	vshrl.u32 v3, $0x3  }
0x93: {  	v4 =	vmul.u32 $0x18, v53  }
0x94: {  	v3 =	vand.u32 $0x7, v3  }
0x95: {  	v3 =	vor.u32 v3, v4  }
0x96: {  	v4 =	vperm.xlane v3, v0;
	_ =	sdelay $0x1  }
0x97: {  	v4 =	vadd.s32 v1, v4;
	_ =	sdelay $0x1  }
0x98: {  	v3 =	vperm.xlane v3, v2;
	_ =	sdelay $0x1  }
0x99: {  	s4 =	rddreg [dreg:$0x18];
	v3 =	vadd.s32 v1, v3  }
0x9a: {  	[tilespmem:s4], [sflag:$0x1] =	stream.indirect_vreg.gather [hbm4b:s2+s3], $0x80, v4, vm0, $0xb8;
	[tilespmem:$0x19000] =	vst v63  }
0x9b: {  	s6 =	rddreg [dreg:$0x19]  }
0x9c: {  	[tilespmem:s6], [sflag:$0x1] =	stream.indirect_vreg.gather [hbm4b:s5+s3], $0x80, v4, vm1, $0xb8;
	[tilespmem:$0x19000] =	vst v63  }
0x9d: {  	s4 =	rddreg [dreg:$0x1a]  }
0x9e: {  	[tilespmem:s4], [sflag:$0x1] =	stream.indirect_vreg.gather [hbm4b:s2+s3], $0x80, v3, vm0, $0xb8;
	[tilespmem:$0x19000] =	vst v63  }
0x9f: {  	s6 =	rddreg [dreg:$0x1b]  }
0xa0: {  	[tilespmem:s6], [sflag:$0x1] =	stream.indirect_vreg.gather [hbm4b:s5+s3], $0x80, v3, vm1, $0xb8;
	[tilespmem:$0x19000] =	vst v63  }
0xa1: {  	v3 =	vld [tilespmem:s1+$0xFFFFFFE0];
	_ =	sdelay $0x4  }
0xa2: {  	v54 =	vshrl.u32 v3, $0x3  }
0xa3: {  	v4 =	vmul.u32 $0x18, v54  }
0xa4: {  	v3 =	vand.u32 $0x7, v3  }
0xa5: {  	v3 =	vor.u32 v3, v4  }
0xa6: {  	v4 =	vperm.xlane v3, v0;
	_ =	sdelay $0x1  }
0xa7: {  	v4 =	vadd.s32 v1, v4;
	_ =	sdelay $0x1  }
0xa8: {  	v3 =	vperm.xlane v3, v2;
	_ =	sdelay $0x1  }
0xa9: {  	s4 =	rddreg [dreg:$0x1c];
	v3 =	vadd.s32 v1, v3  }
0xaa: {  	[tilespmem:s4], [sflag:$0x1] =	stream.indirect_vreg.gather [hbm4b:s2+s3], $0x80, v4, vm0, $0xb8;
	[tilespmem:$0x19000] =	vst v63  }
0xab: {  	s6 =	rddreg [dreg:$0x1d]  }
0xac: {  	[tilespmem:s6], [sflag:$0x1] =	stream.indirect_vreg.gather [hbm4b:s5+s3], $0x80, v4, vm1, $0xb8;
	[tilespmem:$0x19000] =	vst v63  }
0xad: {  	s4 =	rddreg [dreg:$0x1e]  }
0xae: {  	[tilespmem:s4], [sflag:$0x1] =	stream.indirect_vreg.gather [hbm4b:s2+s3], $0x80, v3, vm0, $0xb8;
	[tilespmem:$0x19000] =	vst v63  }
0xaf: {  	s6 =	rddreg [dreg:$0x1f]  }
0xb0: {  	[tilespmem:s6], [sflag:$0x1] =	stream.indirect_vreg.gather [hbm4b:s5+s3], $0x80, v3, vm1, $0xb8;
	[tilespmem:$0x19000] =	vst v63  }
0xb1: {  	v3 =	vld [tilespmem:s1+$0xFFFFFFF0];
	_ =	sdelay $0x4  }
0xb2: {  	v55 =	vshrl.u32 v3, $0x3  }
0xb3: {  	v4 =	vmul.u32 $0x18, v55  }
0xb4: {  	v3 =	vand.u32 $0x7, v3  }
0xb5: {  	v3 =	vor.u32 v3, v4  }
0xb6: {  	v4 =	vperm.xlane v3, v0;
	_ =	sdelay $0x1  }
0xb7: {  	v4 =	vadd.s32 v1, v4;
	_ =	sdelay $0x1  }
0xb8: {  	s4 =	sld [smem:$0x7E9];
	v3 =	vperm.xlane v3, v2;
	_ =	sdelay $0x1  }
0xb9: {  	s6 =	sld [smem:$0x7EA];
	v3 =	vadd.s32 v1, v3  }
0xba: {  	[tilespmem:s4], [sflag:$0x1] =	stream.indirect_vreg.gather [hbm4b:s2+s3], $0x80, v4, vm0, $0xb8;
	[tilespmem:$0x19000] =	vst v63  }
0xbb: {  	s4 =	sld [smem:$0x7EB]  }
0xbc: {  	[tilespmem:s6], [sflag:$0x1] =	stream.indirect_vreg.gather [hbm4b:s5+s3], $0x80, v4, vm1, $0xb8;
	[tilespmem:$0x19000] =	vst v63  }
0xbd: {  	s6 =	sld [smem:$0x7EC]  }
0xbe: {  	[tilespmem:s4], [sflag:$0x1] =	stream.indirect_vreg.gather [hbm4b:s2+s3], $0x80, v3, vm0, $0xb8;
	[tilespmem:$0x19000] =	vst v63  }
0xbf: {  	_ = 	snop  }
0xc0: {  	[tilespmem:s6], [sflag:$0x1] =	stream.indirect_vreg.gather [hbm4b:s5+s3], $0x80, v3, vm1, $0xb8;
	[tilespmem:$0x19000] =	vst v63  }
0xc1: {  	v3 =	vld [tilespmem:s1+$0x0];
	_ =	sdelay $0x4  }
0xc2: {  	v56 =	vshrl.u32 v3, $0x3  }
0xc3: {  	v4 =	vmul.u32 $0x18, v56  }
0xc4: {  	v3 =	vand.u32 $0x7, v3  }
0xc5: {  	v3 =	vor.u32 v3, v4  }
0xc6: {  	v4 =	vperm.xlane v3, v0;
	_ =	sdelay $0x1  }
0xc7: {  	v4 =	vadd.s32 v1, v4;
	_ =	sdelay $0x1  }
0xc8: {  	v3 =	vperm.xlane v3, v2;
	_ =	sdelay $0x1  }
0xc9: {  	s4 =	sld [smem:$0x7ED];
	v3 =	vadd.s32 v1, v3  }
0xca: {  	[tilespmem:s9], [sflag:$0x2] =	stream.indirect_vreg.gather [hbm4b:s2+s3], $0x80, v4, vm0, $0xb8;
	[tilespmem:$0x19000] =	vst v63  }
0xcb: {  	s6 =	sld [smem:$0x7EE]  }
0xcc: {  	[tilespmem:s4], [sflag:$0x2] =	stream.indirect_vreg.gather [hbm4b:s5+s3], $0x80, v4, vm1, $0xb8;
	[tilespmem:$0x19000] =	vst v63  }
0xcd: {  	s4 =	sld [smem:$0x7EF]  }
0xce: {  	[tilespmem:s6], [sflag:$0x2] =	stream.indirect_vreg.gather [hbm4b:s2+s3], $0x80, v3, vm0, $0xb8;
	[tilespmem:$0x19000] =	vst v63  }
0xcf: {  	_ = 	snop  }
0xd0: {  	[tilespmem:s4], [sflag:$0x2] =	stream.indirect_vreg.gather [hbm4b:s5+s3], $0x80, v3, vm1, $0xb8;
	[tilespmem:$0x19000] =	vst v63  }
0xd1: {  	v3 =	vld [tilespmem:s1+$0x10];
	_ =	sdelay $0x4  }
0xd2: {  	v57 =	vshrl.u32 v3, $0x3  }
0xd3: {  	v4 =	vmul.u32 $0x18, v57  }
0xd4: {  	v3 =	vand.u32 $0x7, v3  }
0xd5: {  	v3 =	vor.u32 v3, v4  }
0xd6: {  	v4 =	vperm.xlane v3, v0;
	_ =	sdelay $0x1  }
0xd7: {  	v4 =	vadd.s32 v1, v4;
	_ =	sdelay $0x1  }
0xd8: {  	s4 =	sld [smem:$0x7F0];
	v3 =	vperm.xlane v3, v2;
	_ =	sdelay $0x1  }
0xd9: {  	s6 =	sld [smem:$0x7F1];
	v3 =	vadd.s32 v1, v3  }
0xda: {  	[tilespmem:s4], [sflag:$0x2] =	stream.indirect_vreg.gather [hbm4b:s2+s3], $0x80, v4, vm0, $0xb8;
	[tilespmem:$0x19000] =	vst v63  }
0xdb: {  	s4 =	sld [smem:$0x7F2]  }
0xdc: {  	[tilespmem:s6], [sflag:$0x2] =	stream.indirect_vreg.gather [hbm4b:s5+s3], $0x80, v4, vm1, $0xb8;
	[tilespmem:$0x19000] =	vst v63  }
0xdd: {  	s6 =	sld [smem:$0x7F3]  }
0xde: {  	[tilespmem:s4], [sflag:$0x2] =	stream.indirect_vreg.gather [hbm4b:s2+s3], $0x80, v3, vm0, $0xb8;
	[tilespmem:$0x19000] =	vst v63  }
0xdf: {  	_ = 	snop  }
0xe0: {  	[tilespmem:s6], [sflag:$0x2] =	stream.indirect_vreg.gather [hbm4b:s5+s3], $0x80, v3, vm1, $0xb8;
	[tilespmem:$0x19000] =	vst v63  }
0xe1: {  	v3 =	vld [tilespmem:s1+$0x20];
	_ =	sdelay $0x4  }
0xe2: {  	v58 =	vshrl.u32 v3, $0x3  }
0xe3: {  	v4 =	vmul.u32 $0x18, v58  }
0xe4: {  	v3 =	vand.u32 $0x7, v3  }
0xe5: {  	v3 =	vor.u32 v3, v4  }
0xe6: {  	v4 =	vperm.xlane v3, v0;
	_ =	sdelay $0x1  }
0xe7: {  	v4 =	vadd.s32 v1, v4;
	_ =	sdelay $0x1  }
0xe8: {  	s4 =	sld [smem:$0x7F4];
	v3 =	vperm.xlane v3, v2;
	_ =	sdelay $0x1  }
0xe9: {  	s6 =	sld [smem:$0x7F5];
	v3 =	vadd.s32 v1, v3  }
0xea: {  	[tilespmem:s4], [sflag:$0x2] =	stream.indirect_vreg.gather [hbm4b:s2+s3], $0x80, v4, vm0, $0xb8;
	[tilespmem:$0x19000] =	vst v63  }
0xeb: {  	s4 =	sld [smem:$0x7F6]  }
0xec: {  	[tilespmem:s6], [sflag:$0x2] =	stream.indirect_vreg.gather [hbm4b:s5+s3], $0x80, v4, vm1, $0xb8;
	[tilespmem:$0x19000] =	vst v63  }
0xed: {  	s6 =	sld [smem:$0x7F8]  }
0xee: {  	[tilespmem:s4], [sflag:$0x2] =	stream.indirect_vreg.gather [hbm4b:s2+s3], $0x80, v3, vm0, $0xb8;
	[tilespmem:$0x19000] =	vst v63  }
0xef: {  	_ = 	snop  }
0xf0: {  	[tilespmem:s6], [sflag:$0x2] =	stream.indirect_vreg.gather [hbm4b:s5+s3], $0x80, v3, vm1, $0xb8;
	[tilespmem:$0x19000] =	vst v63  }
0xf1: {  	v3 =	vld [tilespmem:s1+$0x30];
	_ =	sdelay $0x4  }
0xf2: {  	v59 =	vshrl.u32 v3, $0x3  }
0xf3: {  	v4 =	vmul.u32 $0x18, v59  }
0xf4: {  	v3 =	vand.u32 $0x7, v3  }
0xf5: {  	v3 =	vor.u32 v3, v4  }
0xf6: {  	v4 =	vperm.xlane v3, v0;
	_ =	sdelay $0x1  }
0xf7: {  	v4 =	vadd.s32 v1, v4;
	_ =	sdelay $0x1  }
0xf8: {  	s4 =	sld [smem:$0x7F9];
	v3 =	vperm.xlane v3, v2;
	_ =	sdelay $0x1  }
0xf9: {  	s6 =	sld [smem:$0x7FB];
	v3 =	vadd.s32 v1, v3  }
0xfa: {  	[tilespmem:s4], [sflag:$0x2] =	stream.indirect_vreg.gather [hbm4b:s2+s3], $0x80, v4, vm0, $0xb8;
	[tilespmem:$0x19000] =	vst v63  }
0xfb: {  	s4 =	sld [smem:$0x7FC]  }
0xfc: {  	[tilespmem:s6], [sflag:$0x2] =	stream.indirect_vreg.gather [hbm4b:s5+s3], $0x80, v4, vm1, $0xb8;
	[tilespmem:$0x19000] =	vst v63  }
0xfd: {  	s6 =	sld [smem:$0x7FD]  }
0xfe: {  	[tilespmem:s4], [sflag:$0x2] =	stream.indirect_vreg.gather [hbm4b:s2+s3], $0x80, v3, vm0, $0xb8;
	[tilespmem:$0x19000] =	vst v63  }
0xff: {  	_ = 	snop  }
0x100: {  	[tilespmem:s6], [sflag:$0x2] =	stream.indirect_vreg.gather [hbm4b:s5+s3], $0x80, v3, vm1, $0xb8;
	[tilespmem:$0x19000] =	vst v63  }
0x101: {  	v3 =	vld [tilespmem:s1+$0x40];
	_ =	sdelay $0x4  }
0x102: {  	v60 =	vshrl.u32 v3, $0x3  }
0x103: {  	v4 =	vmul.u32 $0x18, v60  }
0x104: {  	v3 =	vand.u32 $0x7, v3  }
0x105: {  	v3 =	vor.u32 v3, v4  }
0x106: {  	v4 =	vperm.xlane v3, v0;
	_ =	sdelay $0x1  }
0x107: {  	v4 =	vadd.s32 v1, v4;
	_ =	sdelay $0x1  }
0x108: {  	v3 =	vperm.xlane v3, v2;
	_ =	sdelay $0x1  }
0x109: {  	v3 =	vadd.s32 v1, v3  }
0x10a: {  	[tilespmem:s10], [sflag:$0x2] =	stream.indirect_vreg.gather [hbm4b:s2+s3], $0x80, v4, vm0, $0xb8;
	[tilespmem:$0x19000] =	vst v63  }
0x10b: {  	_ = 	snop  }
0x10c: {  	[tilespmem:s11], [sflag:$0x2] =	stream.indirect_vreg.gather [hbm4b:s5+s3], $0x80, v4, vm1, $0xb8;
	[tilespmem:$0x19000] =	vst v63  }
0x10d: {  	_ = 	snop  }
0x10e: {  	[tilespmem:s12], [sflag:$0x2] =	stream.indirect_vreg.gather [hbm4b:s2+s3], $0x80, v3, vm0, $0xb8;
	[tilespmem:$0x19000] =	vst v63  }
0x10f: {  	_ = 	snop  }
0x110: {  	[tilespmem:s13], [sflag:$0x2] =	stream.indirect_vreg.gather [hbm4b:s5+s3], $0x80, v3, vm1, $0xb8;
	[tilespmem:$0x19000] =	vst v63  }
0x111: {  	v3 =	vld [tilespmem:s1+$0x50];
	_ =	sdelay $0x4  }
0x112: {  	v61 =	vshrl.u32 v3, $0x3  }
0x113: {  	v4 =	vmul.u32 $0x18, v61  }
0x114: {  	v3 =	vand.u32 $0x7, v3  }
0x115: {  	v3 =	vor.u32 v3, v4  }
0x116: {  	v4 =	vperm.xlane v3, v0;
	_ =	sdelay $0x1  }
0x117: {  	v4 =	vadd.s32 v1, v4;
	_ =	sdelay $0x1  }
0x118: {  	v3 =	vperm.xlane v3, v2;
	_ =	sdelay $0x1  }
0x119: {  	v3 =	vadd.s32 v1, v3  }
0x11a: {  	[tilespmem:s14], [sflag:$0x2] =	stream.indirect_vreg.gather [hbm4b:s2+s3], $0x80, v4, vm0, $0xb8;
	[tilespmem:$0x19000] =	vst v63  }
0x11b: {  	_ = 	snop  }
0x11c: {  	[tilespmem:s15], [sflag:$0x2] =	stream.indirect_vreg.gather [hbm4b:s5+s3], $0x80, v4, vm1, $0xb8;
	[tilespmem:$0x19000] =	vst v63  }
0x11d: {  	_ = 	snop  }
0x11e: {  	[tilespmem:s16], [sflag:$0x2] =	stream.indirect_vreg.gather [hbm4b:s2+s3], $0x80, v3, vm0, $0xb8;
	[tilespmem:$0x19000] =	vst v63  }
0x11f: {  	_ = 	snop  }
0x120: {  	[tilespmem:s17], [sflag:$0x2] =	stream.indirect_vreg.gather [hbm4b:s5+s3], $0x80, v3, vm1, $0xb8;
	[tilespmem:$0x19000] =	vst v63  }
0x121: {  	v3 =	vld [tilespmem:s1+$0x60];
	_ =	sdelay $0x4  }
0x122: {  	v62 =	vshrl.u32 v3, $0x3  }
0x123: {  	v4 =	vmul.u32 $0x18, v62  }
0x124: {  	v3 =	vand.u32 $0x7, v3  }
0x125: {  	v3 =	vor.u32 v3, v4  }
0x126: {  	v4 =	vperm.xlane v3, v0;
	_ =	sdelay $0x1  }
0x127: {  	v4 =	vadd.s32 v1, v4;
	_ =	sdelay $0x1  }
0x128: {  	v3 =	vperm.xlane v3, v2;
	_ =	sdelay $0x1  }
0x129: {  	v3 =	vadd.s32 v1, v3  }
0x12a: {  	[tilespmem:s18], [sflag:$0x2] =	stream.indirect_vreg.gather [hbm4b:s2+s3], $0x80, v4, vm0, $0xb8;
	[tilespmem:$0x19000] =	vst v63  }
0x12b: {  	_ = 	snop  }
0x12c: {  	[tilespmem:s19], [sflag:$0x2] =	stream.indirect_vreg.gather [hbm4b:s5+s3], $0x80, v4, vm1, $0xb8;
	[tilespmem:$0x19000] =	vst v63  }
0x12d: {  	_ = 	snop  }
0x12e: {  	[tilespmem:s20], [sflag:$0x2] =	stream.indirect_vreg.gather [hbm4b:s2+s3], $0x80, v3, vm0, $0xb8;
	[tilespmem:$0x19000] =	vst v63  }
0x12f: {  	_ = 	snop  }
0x130: {  	[tilespmem:s21], [sflag:$0x2] =	stream.indirect_vreg.gather [hbm4b:s5+s3], $0x80, v3, vm1, $0xb8;
	[tilespmem:$0x19000] =	vst v63  }
0x131: {  	v3 =	vld [tilespmem:s1+$0x70];
	_ =	sdelay $0x4  }
0x132: {  	v63 =	vshrl.u32 v3, $0x3  }
0x133: {  	v4 =	vmul.u32 $0x18, v63  }
0x134: {  	v3 =	vand.u32 $0x7, v3  }
0x135: {  	v3 =	vor.u32 v3, v4  }
0x136: {  	v4 =	vperm.xlane v3, v0;
	_ =	sdelay $0x1  }
0x137: {  	v4 =	vadd.s32 v1, v4;
	_ =	sdelay $0x1  }
0x138: {  	v3 =	vperm.xlane v3, v2;
	_ =	sdelay $0x1  }
0x139: {  	v3 =	vadd.s32 v1, v3  }
0x13a: {  	[tilespmem:s22], [sflag:$0x2] =	stream.indirect_vreg.gather [hbm4b:s2+s3], $0x80, v4, vm0, $0xb8;
	[tilespmem:$0x19000] =	vst v63  }
0x13b: {  	_ = 	snop  }
0x13c: {  	[tilespmem:s23], [sflag:$0x2] =	stream.indirect_vreg.gather [hbm4b:s5+s3], $0x80, v4, vm1, $0xb8;
	[tilespmem:$0x19000] =	vst v63  }
0x13d: {  	_ = 	snop  }
0x13e: {  	[tilespmem:s24], [sflag:$0x2] =	stream.indirect_vreg.gather [hbm4b:s2+s3], $0x80, v3, vm0, $0xb8;
	[tilespmem:$0x19000] =	vst v63  }
0x13f: {  	_ = 	snop  }
0x140: {  	[tilespmem:s25], [sflag:$0x2] =	stream.indirect_vreg.gather [hbm4b:s5+s3], $0x80, v3, vm1, $0xb8;
	[tilespmem:$0x19000] =	vst v63  }
0x141: {  	_ =	swait.ge [sflag:s26], $0xC000  }
0x142: {  	s6 =	rddreg [dreg:$0x4];
	[sflag:s26] =	ssyncset.done $0x0  }
0x143: {  	[sflag:s26] =	ssyncadd.s32 $0xFFFF4000;
	s4 =	sadd.s32 s0, s6  }
0x144: {  	[hbm4b:s4+s3] =	stream.linear.scatter [tilespmem:s8], [sflag:$0x3], $0xC000, $0x38;
	[tilespmem:$0x19000] =	vst v63  }
0x145: {  	_ =	swait.ge [sflag:s28], $0xC000  }
0x146: {  	s6 =	rddreg [dreg:$0x3];
	[sflag:s28] =	ssyncset.done $0x0  }
0x147: {  	[sflag:s28] =	ssyncadd.s32 $0xFFFF4000;
	s4 =	sadd.s32 s0, s6  }
0x148: {  	[hbm4b:s4+s3] =	stream.linear.scatter [tilespmem:s9], [sflag:$0x4], $0xC000, $0x38;
	[tilespmem:$0x19000] =	vst v63  }
0x149: {  	p0 =	sne.s32 s0, $0x2D000;
	_ =	swait.ge [sflag:s29], $0xC000  }
.Ltmp0:
0x14a: {  	[sflag:s29] =	ssyncset.done $0x0;
	(pc) =	sbr.rel @p0 .LBB2_2-.Ltmp0, $4  }
0x14b: {  	[sflag:s29] =	ssyncadd.s32 $0xFFFF4000  }
0x14c: {  	_ =	swait.ge [sflag:s30], $0xC000  }
0x14d: {  	[sflag:s30] =	ssyncset.done $0x0  }
0x14e: {  	s1 =	sadd.s32 $0x100, s1;
	s0 =	sadd.s32 $0x3000, s0;
	[sflag:s30] =	ssyncadd.s32 $0xFFFF4000  }
0x14f: {  	s0 =	sld [smem:$0x7FA];
	_ =	sdelay $0x1  }
0x150: {  	s31 =	sadd.s32 $0x1, s31  }
0x151: {  	p0 =	sne.s32 s31, s0  }
.Ltmp1:
0x152: {  	_ = 	snop;
	(pc) =	sbr.rel @p0 .LBB2_1-.Ltmp1, $1  }
0x153: {  	_ =	sdelay $0x3  }
0x154: {  	_ =	sfence.sel $0x180000  }
0x155: {  	[bflag:$0x0] =	sbarrier.arrive $0xFFFF  }
0x156: {  	_ =	strace $0x90000047  }
0x157: {  	s0 =	stileid.u32;
	[bflag:$0x2] =	sbarrier.arrive $0xFFFF  }
0x158: {  	p0 =	sne.s32 s0, $0x0;
	s0 =	rddreg [dreg:$0x2]  }
0x159: {  	s0 =	sadd.s32 @!p0 $0x100000, s0  }
0x15a: {  	[sflag:s0] =	ssyncadd.tile.s32 @!p0 $0x1;
	_ =	shalt  }
.Lfunc_end2:
_tile_overlayer_lowered:
.L_overlay_start_2:
0x15b: {  	(tag) =	ssettag $0x2  }
0x15c: {  	s0 =	rddreg [dreg:$0x0];
	s2 =	stileid.u32  }
0x15d: {  	s1 =	rddreg [dreg:$0x1];
	p0 =	sne.s32 s2, $0x0  }
0x15e: {  	s3 =	rddreg [dreg:$0x2];
	[bflag:$0x3] =	sbarrier.arrive $0xFFFF;
	s2 =	simm.s32 @!p0 $0x1C05  }
0x15f: {  	[timem:s3], [sflag:s2] =	dma.local @!p0 [hbm:s0], s1  }
0x160: {  	s0 =	simm.s32 @!p0 $0x5  }
0x161: {  	_ =	swait.ge @!p0 [sflag:s0], s1  }
0x162: {  	s1 =	ssub.s32 @!p0 $0x0, s1;
	[sflag:s0] =	ssyncset.done @!p0 $0x0  }
0x163: {  	[sflag:s0] =	ssyncadd.s32 @!p0 s1  }
0x164: {  	[bflag:$0x3] =	sbarrier.arrive $0xFFFF  }
0x165: {  	_ =	shalt  }

</sc_bundles>
